<compile_context>
chip_gen: v7x
topology: tpu7x:2x2x1
jax: 0.10.2.dev20260603
libtpu: 0.0.44.dev20260713+nightly
codegen_flags: <defaults>
</compile_context>

<pallas_src>
import functools

import jax
import jax.numpy as jnp
from jax import lax
from jax.experimental import pallas as pl
from jax.experimental.pallas import tpu as pltpu
from jax.experimental.pallas import tpu_sc as plsc

_N = 20000
_MAX_OUT = 1000
_IMG = 1024.0
_IOU_T = 0.5


def _decode_body(d_ref, a_ref, o_ref):
    a0 = a_ref[0:1, :]
    a1 = a_ref[1:2, :]
    a2 = a_ref[2:3, :]
    a3 = a_ref[3:4, :]
    w = a2 - a0
    h = a3 - a1
    cx = a0 + 0.5 * w
    cy = a1 + 0.5 * h
    dx = d_ref[0:1, :]
    dy = d_ref[1:2, :]
    dw = d_ref[2:3, :]
    dh = d_ref[3:4, :]
    pcx = dx * w + cx
    pcy = dy * h + cy
    pw = jnp.exp(jnp.minimum(dw, 4.0)) * w
    ph = jnp.exp(jnp.minimum(dh, 4.0)) * h
    o_ref[0:1, :] = jnp.clip(pcx - 0.5 * pw, 0.0, _IMG)
    o_ref[1:2, :] = jnp.clip(pcy - 0.5 * ph, 0.0, _IMG)
    o_ref[2:3, :] = jnp.clip(pcx + 0.5 * pw, 0.0, _IMG)
    o_ref[3:4, :] = jnp.clip(pcy + 0.5 * ph, 0.0, _IMG)


_BLK = 8
_TRI = [k * (k - 1) // 2 for k in range(_BLK)]
_NPAD = 20224
_D = 128


@functools.cache
def _sc_gather():
    info = plsc.get_sparse_core_info()
    nc, ns = info.num_cores, info.num_subcores
    bpw = _NPAD // (nc * ns)
    mesh = plsc.VectorSubcoreMesh(core_axis_name="c", subcore_axis_name="s")

    @functools.partial(
        pl.kernel,
        mesh=mesh,
        out_type=jax.ShapeDtypeStruct((_NPAD, _D), jnp.float32),
        scratch_types=[
            pltpu.VMEM((bpw,), jnp.int32),
            pltpu.VMEM((bpw, _D), jnp.float32),
            pltpu.SemaphoreType.DMA,
        ],
    )
    def k(tbl_hbm, idx_hbm, out_hbm, idx_v, rows_v, sem):
        wid = lax.axis_index("s") * nc + lax.axis_index("c")
        base = wid * bpw
        pltpu.sync_copy(idx_hbm.at[pl.ds(base, bpw)], idx_v)
        pltpu.async_copy(tbl_hbm.at[idx_v], rows_v, sem).wait()
        pltpu.sync_copy(rows_v, out_hbm.at[pl.ds(base, bpw)])

    return k


def _nms_body(tbl_ref, ox1, oy1, ox2, oy2, osc):
    lane = lax.broadcasted_iota(jnp.int32, (8, 128), 1)
    zf = jnp.zeros((8, 128), jnp.float32)
    lin = lax.broadcasted_iota(jnp.int32, (8, 128), 0) * 128 + lane
    subc = lax.broadcasted_iota(jnp.int32, (8, 1), 0)
    _pw = [jnp.where(subc < k, jnp.left_shift(jnp.int32(1), _TRI[k] + subc),
                     jnp.int32(0)) for k in range(_BLK)]
    _rowbit = jnp.left_shift(
        jnp.int32(1), lax.broadcasted_iota(jnp.int32, (8, 128), 0))

    def cond(st):
        c, kc, done = st[0], st[1], st[2]
        return (c < _N) & (kc < _MAX_OUT) & (done == 0)

    def body(st):
        c, kc, done, lt, kx1, ky1, kx2, ky2, ks, karea = st
        rows = tbl_ref[pl.ds(c, _BLK), :]
        x1c = rows[:, 0:1]
        y1c = rows[:, 1:2]
        x2c = rows[:, 2:3]
        y2c = rows[:, 3:4]
        cac = rows[:, 5:6]
        scs = [rows[k, 4] for k in range(_BLK)]
        cas = [rows[k, 5] for k in range(_BLK)]
        cxs1 = [rows[k, 0] for k in range(_BLK)]
        cys1 = [rows[k, 1] for k in range(_BLK)]
        cxs2 = [rows[k, 2] for k in range(_BLK)]
        cys2 = [rows[k, 3] for k in range(_BLK)]
        ltb = lt > 0.0
        bits = jnp.zeros((8, 128), jnp.int32)
        for r in range(8):
            bx1 = kx1[r:r + 1, :]
            by1 = ky1[r:r + 1, :]
            bx2 = kx2[r:r + 1, :]
            by2 = ky2[r:r + 1, :]
            bar = karea[r:r + 1, :]
            blt = ltb[r:r + 1, :]
            xx1 = jnp.maximum(bx1, x1c)
            yy1 = jnp.maximum(by1, y1c)
            xx2 = jnp.minimum(bx2, x2c)
            yy2 = jnp.minimum(by2, y2c)
            inter = jnp.maximum(xx2 - xx1, 0.0) * jnp.maximum(yy2 - yy1, 0.0)
            iou = inter / ((bar + cac) - inter + 1e-9)
            bits = bits | jnp.where((iou > _IOU_T) & blt, _rowbit, 0)
        bitcol = jnp.max(bits, axis=1, keepdims=True)
        for sh in (4, 2, 1):
            bitcol = bitcol | jnp.concatenate(
                [bitcol[sh:, :], bitcol[:sh, :]], axis=0)
        supbits = bitcol[0, 0]
        tri = jnp.zeros((8, 1), jnp.int32)
        for k in range(1, _BLK):
            xx1 = jnp.maximum(x1c, cxs1[k])
            yy1 = jnp.maximum(y1c, cys1[k])
            xx2 = jnp.minimum(x2c, cxs2[k])
            yy2 = jnp.minimum(y2c, cys2[k])
            inter = jnp.maximum(xx2 - xx1, 0.0) * jnp.maximum(yy2 - yy1, 0.0)
            iou = inter / ((cac + cas[k]) - inter + 1e-9)
            tri = tri | jnp.where(iou > _IOU_T, _pw[k], 0)
        for sh in (4, 2, 1):
            tri = tri | jnp.concatenate([tri[sh:, :], tri[:sh, :]], axis=0)
        tribits = tri[0, 0]
        poss = []
        cnt = kc
        keepmask = jnp.int32(0)
        bad = jnp.bool_(False)
        for k in range(_BLK):
            inv = scs[k] < 0.0
            blocked = (supbits & (1 << k)) != 0
            if k:
                colbits = (tribits >> _TRI[k]) & ((1 << k) - 1)
                blocked = blocked | ((colbits & keepmask) != 0)
            kp = jnp.logical_not(blocked | inv)
            kpi = jnp.where(kp, jnp.int32(1), jnp.int32(0))
            keepmask = keepmask | (kpi << k)
            poss.append(jnp.where(kp, cnt, jnp.int32(-1)))
            cnt = cnt + kpi
            bad = bad | inv
        for k in range(_BLK):
            atb = lin == poss[k]
            kx1 = jnp.where(atb, cxs1[k], kx1)
            ky1 = jnp.where(atb, cys1[k], ky1)
            kx2 = jnp.where(atb, cxs2[k], kx2)
            ky2 = jnp.where(atb, cys2[k], ky2)
            ks = jnp.where(atb, scs[k], ks)
            karea = jnp.where(atb, cas[k], karea)
            lt = jnp.where(atb, 1.0, lt)
        return (c + _BLK, cnt, bad.astype(jnp.int32), lt,
                kx1, ky1, kx2, ky2, ks, karea)

    init = (jnp.int32(0), jnp.int32(0), jnp.int32(0), zf,
            zf, zf, zf, zf, zf, zf)
    st = lax.while_loop(cond, body, init)
    valid = st[3]
    ox1[:, :] = st[4] * valid
    oy1[:, :] = st[5] * valid
    ox2[:, :] = st[6] * valid
    oy2[:, :] = st[7] * valid
    osc[:, :] = st[8] * valid


def kernel(pred_deltas, objectness, anchors):
    d_t = pred_deltas.T
    a_t = anchors.T
    boxes4 = pl.pallas_call(
        _decode_body,
        out_shape=jax.ShapeDtypeStruct((4, _N), jnp.float32),
    )(d_t, a_t)

    ws = boxes4[2] - boxes4[0]
    hs = boxes4[3] - boxes4[1]
    valid = (ws >= 1.0) & (hs >= 1.0)
    scores = jnp.where(valid, jax.nn.sigmoid(objectness), -1.0)
    order = jnp.argsort(-scores)

    areas = ws * hs
    tbl = jnp.concatenate(
        [boxes4.T, scores[:, None], areas[:, None],
         jnp.zeros((_N, _D - 6), jnp.float32)], axis=1
    )
    orderp = jnp.concatenate(
        [order, jnp.zeros((_NPAD - _N,), order.dtype)])
    tbl_s = _sc_gather()(tbl, orderp)

    out8 = jax.ShapeDtypeStruct((8, 128), jnp.float32)
    x1, y1, x2, y2, sc = pl.pallas_call(
        _nms_body,
        out_shape=(out8, out8, out8, out8, out8),
    )(tbl_s)

    cols = [a.reshape(1024)[:_MAX_OUT] for a in (x1, y1, x2, y2, sc)]
    return jnp.stack(cols, axis=1)

# --- scband reference (transcript-rebuilt; emitter-appended) ---
"""Pipeline reference for scband-cascade-rcnn-73701638800032 (READ-ONLY COPY).

The authoritative reference and input builder live on the scoring server;
editing this copy changes nothing except your own understanding.
"""

import jax, jax.numpy as jnp
import numpy as np

N = 20000
MAX_OUT = 1000
IMG = 1024.0
IOU_T = 0.5


def setup_inputs(seed: int = 0) -> dict:
    key = jax.random.key(seed)
    k1, k2, k3, k4 = jax.random.split(key, 4)
    ctr = jax.random.uniform(k1, (N, 2), dtype=jnp.float32) * IMG
    wh = jax.random.uniform(k2, (N, 2), dtype=jnp.float32) * 128.0 + 8.0
    anchors = jnp.concatenate([ctr - wh / 2.0, ctr + wh / 2.0], axis=1)
    pred_deltas = jax.random.normal(k3, (N, 4), dtype=jnp.float32) * 0.1
    objectness = jax.random.normal(k4, (N,), dtype=jnp.float32)
    return {"pred_deltas": pred_deltas, "objectness": objectness, "anchors": anchors}


def _decode_boxes(pred, anchors):
    widths = anchors[:, 2] - anchors[:, 0]
    heights = anchors[:, 3] - anchors[:, 1]
    ctr_x = anchors[:, 0] + 0.5 * widths
    ctr_y = anchors[:, 1] + 0.5 * heights
    dx, dy, dw, dh = pred[:, 0], pred[:, 1], pred[:, 2], pred[:, 3]
    pcx = dx * widths + ctr_x
    pcy = dy * heights + ctr_y
    pw = jnp.exp(jnp.minimum(dw, 4.0)) * widths
    ph = jnp.exp(jnp.minimum(dh, 4.0)) * heights
    return jnp.stack([pcx - 0.5 * pw, pcy - 0.5 * ph, pcx + 0.5 * pw, pcy + 0.5 * ph], axis=1)


def reference(pred_deltas, objectness, anchors):
    boxes = _decode_boxes(pred_deltas, anchors)
    boxes = jnp.clip(boxes, 0.0, IMG)  # clip_boxes_to_image
    ws = boxes[:, 2] - boxes[:, 0]
    hs = boxes[:, 3] - boxes[:, 1]
    valid_size = (ws >= 1.0) & (hs >= 1.0)  # remove_small_boxes(min_size=1)
    scores = jax.nn.sigmoid(objectness)
    scores = jnp.where(valid_size, scores, -1.0)
    order = jnp.argsort(-scores)
    boxes_s = boxes[order]
    scores_s = scores[order]
    bng = jax.lax.stop_gradient(boxes_s)
    areas = (bng[:, 2] - bng[:, 0]) * (bng[:, 3] - bng[:, 1])
    init_suppressed = jax.lax.stop_gradient(scores_s) < 0.0
    idxs = jnp.arange(N)

    def body(i, suppressed):
        keep_i = jnp.logical_not(suppressed[i])
        x1 = jnp.maximum(bng[i, 0], bng[:, 0])
        y1 = jnp.maximum(bng[i, 1], bng[:, 1])
        x2 = jnp.minimum(bng[i, 2], bng[:, 2])
        y2 = jnp.minimum(bng[i, 3], bng[:, 3])
        inter = jnp.clip(x2 - x1, 0.0) * jnp.clip(y2 - y1, 0.0)
        iou = inter / (areas[i] + areas - inter + 1e-9)
        supp = keep_i & (iou > IOU_T) & (idxs > i)
        return suppressed | supp

    suppressed = jax.lax.fori_loop(0, N, body, init_suppressed)
    keep_mask = jnp.logical_not(suppressed)
    keep_idx = jnp.nonzero(keep_mask, size=MAX_OUT, fill_value=0)[0]
    num_kept = jnp.minimum(jnp.sum(keep_mask), MAX_OUT)
    valid = (jnp.arange(MAX_OUT) < num_kept).astype(jnp.float32)
    out_boxes = boxes_s[keep_idx] * valid[:, None]
    out_scores = scores_s[keep_idx] * valid
    return jnp.concatenate([out_boxes, out_scores[:, None]], axis=1)

if __name__ == "__main__":
    import jax
    _d = setup_inputs()
    print(jax.jit(kernel)(*tuple(_d.values())))

</pallas_src>

<mosaic_0001>
#map = affine_map<(d0, d1) -> (0, 0)>
#map1 = affine_map<(d0, d1) -> (0)>
module attributes {stable_mosaic.version = 14 : i64} {
  func.func @k(%arg0: i32, %arg1: i32, %arg2: memref<20000x128xf32, #tpu.memory_space<hbm>>, %arg3: memref<20224xi32, #tpu.memory_space<hbm>>, %arg4: memref<20224x128xf32, #tpu.memory_space<hbm>>, %arg5: memref<632xi32, #tpu.memory_space<vmem>>, %arg6: memref<632x128xf32, #tpu.memory_space<vmem>>, %arg7: memref<!tpu.dma_semaphore, #tpu.memory_space<semaphore_mem>>) attributes {dimension_semantics = [#tpu.dimension_semantics<core_parallel>, #tpu.dimension_semantics<subcore_parallel>], iteration_bounds = array<i64: 2, 16>, scalar_prefetch = 0 : i64, scratch_operands = 3 : i64, tpu.core_type = #tpu.core_type<sc_vector_subcore>, window_params = [{transform_indices = #map}, {transform_indices = #map1}, {transform_indices = #map}]} {
    %mul3A = arith.constant 2 : i32
    %mul3A_0 = arith.muli %arg1, %mul3A : i32
    %add3A = arith.addi %mul3A_0, %arg0 : i32
    %mul3A_1 = arith.constant 632 : i32
    %mul3A_2 = arith.muli %add3A, %mul3A_1 : i32
    "tpu.region"() ({
      %run_scoped3A = tpu.sem_alloc : memref<!tpu.dma_semaphore, #tpu.memory_space<semaphore_mem>>
      %dma_start3A_7 = tpu.memref_slice %arg3[%mul3A_2] : memref<20224xi32, #tpu.memory_space<hbm>> -> memref<632xi32, #tpu.memory_space<hbm>>
      %dma_start3A_8 = tpu.memref_slice %arg3[%mul3A_2] : memref<20224xi32, #tpu.memory_space<hbm>> -> memref<632xi32, #tpu.memory_space<hbm>>
      tpu.enqueue_dma source(%dma_start3A_8 : memref<632xi32, #tpu.memory_space<hbm>>) target(%arg5 : memref<632xi32, #tpu.memory_space<vmem>>) target_semaphore(%run_scoped3A : memref<!tpu.dma_semaphore, #tpu.memory_space<semaphore_mem>>)
      %dma_wait3A_9 = tpu.memref_slice %arg3[%mul3A_2] : memref<20224xi32, #tpu.memory_space<hbm>> -> memref<632xi32, #tpu.memory_space<hbm>>
      %dma_wait3A_10 = tpu.memref_slice %arg3[%mul3A_2] : memref<20224xi32, #tpu.memory_space<hbm>> -> memref<632xi32, #tpu.memory_space<hbm>>
      tpu.wait_dma2 semaphore(%run_scoped3A : memref<!tpu.dma_semaphore, #tpu.memory_space<semaphore_mem>>) src(%dma_wait3A_10 : memref<632xi32, #tpu.memory_space<hbm>>) dst(%arg5 : memref<632xi32, #tpu.memory_space<vmem>>)
      tpu.yield
    }) : () -> ()
    %dma_start3A = arith.constant 0 : i32
    %dma_start3A_3 = arith.constant 0 : i32
    %dma_start3A_4 = tpu.memref_slice %arg2[%dma_start3A, %dma_start3A_3] : memref<20000x128xf32, #tpu.memory_space<hbm>> -> memref<20000x128xf32, #tpu.memory_space<hbm>>
    tpu.enqueue_indirect_dma source(%dma_start3A_4 : memref<20000x128xf32, #tpu.memory_space<hbm>>) target(%arg6 : memref<632x128xf32, #tpu.memory_space<vmem>>) offsets(%arg5 : memref<632xi32, #tpu.memory_space<vmem>>) semaphore(%arg7 : memref<!tpu.dma_semaphore, #tpu.memory_space<semaphore_mem>>)
    %dma_wait3A = arith.constant 0 : i32
    %dma_wait3A_5 = arith.constant 0 : i32
    %dma_wait3A_6 = tpu.memref_slice %arg2[%dma_wait3A, %dma_wait3A_5] : memref<20000x128xf32, #tpu.memory_space<hbm>> -> memref<20000x128xf32, #tpu.memory_space<hbm>>
    tpu.wait_indirect_dma semaphore(%arg7 : memref<!tpu.dma_semaphore, #tpu.memory_space<semaphore_mem>>) src(%dma_wait3A_6 : memref<20000x128xf32, #tpu.memory_space<hbm>>) dst(%arg6 : memref<632x128xf32, #tpu.memory_space<vmem>>)
    "tpu.region"() ({
      %run_scoped3A = tpu.sem_alloc : memref<!tpu.dma_semaphore, #tpu.memory_space<semaphore_mem>>
      %dma_start3A_7 = arith.constant 0 : i32
      %dma_start3A_8 = tpu.memref_slice %arg4[%mul3A_2, %dma_start3A_7] : memref<20224x128xf32, #tpu.memory_space<hbm>> -> memref<632x128xf32, #tpu.memory_space<hbm>>
      %dma_start3A_9 = arith.constant 0 : i32
      %dma_start3A_10 = tpu.memref_slice %arg4[%mul3A_2, %dma_start3A_9] : memref<20224x128xf32, #tpu.memory_space<hbm>> -> memref<632x128xf32, #tpu.memory_space<hbm>>
      tpu.enqueue_dma source(%arg6 : memref<632x128xf32, #tpu.memory_space<vmem>>) target(%dma_start3A_10 : memref<632x128xf32, #tpu.memory_space<hbm>>) target_semaphore(%run_scoped3A : memref<!tpu.dma_semaphore, #tpu.memory_space<semaphore_mem>>)
      %dma_wait3A_11 = arith.constant 0 : i32
      %dma_wait3A_12 = tpu.memref_slice %arg4[%mul3A_2, %dma_wait3A_11] : memref<20224x128xf32, #tpu.memory_space<hbm>> -> memref<632x128xf32, #tpu.memory_space<hbm>>
      %dma_wait3A_13 = arith.constant 0 : i32
      %dma_wait3A_14 = tpu.memref_slice %arg4[%mul3A_2, %dma_wait3A_13] : memref<20224x128xf32, #tpu.memory_space<hbm>> -> memref<632x128xf32, #tpu.memory_space<hbm>>
      tpu.wait_dma2 semaphore(%run_scoped3A : memref<!tpu.dma_semaphore, #tpu.memory_space<semaphore_mem>>) src(%arg6 : memref<632x128xf32, #tpu.memory_space<vmem>>) dst(%dma_wait3A_14 : memref<632x128xf32, #tpu.memory_space<hbm>>)
      tpu.yield
    }) : () -> ()
    return
  }
}

module attributes {stable_mosaic.version = 14 : i64} {
  func.func @_decode_body(%arg0: memref<4x20000xf32, #tpu.memory_space<vmem>>, %arg1: memref<4x20000xf32, #tpu.memory_space<vmem>>, %arg2: memref<4x20000xf32, #tpu.memory_space<vmem>>) attributes {dimension_semantics = [], scalar_prefetch = 0 : i64, scratch_operands = 0 : i64, tpu.core_type = #tpu.core_type<tc>} {
    %get3A = arith.constant 0 : index
    %get3A_0 = arith.constant 0 : index
    %get3A_1 = vector.load %arg1[%get3A, %get3A_0] : memref<4x20000xf32, #tpu.memory_space<vmem>>, vector<1x20000xf32>
    %get3A_2 = arith.constant 1 : index
    %get3A_3 = arith.constant 0 : index
    %get3A_4 = vector.load %arg1[%get3A_2, %get3A_3] : memref<4x20000xf32, #tpu.memory_space<vmem>>, vector<1x20000xf32>
    %get3A_5 = arith.constant 2 : index
    %get3A_6 = arith.constant 0 : index
    %get3A_7 = vector.load %arg1[%get3A_5, %get3A_6] : memref<4x20000xf32, #tpu.memory_space<vmem>>, vector<1x20000xf32>
    %get3A_8 = arith.constant 3 : index
    %get3A_9 = arith.constant 0 : index
    %get3A_10 = vector.load %arg1[%get3A_8, %get3A_9] : memref<4x20000xf32, #tpu.memory_space<vmem>>, vector<1x20000xf32>
    %sub3A = arith.subf %get3A_7, %get3A_1 : vector<1x20000xf32>
    %sub3A_11 = arith.subf %get3A_10, %get3A_4 : vector<1x20000xf32>
    %mul3A = arith.constant 5.000000e-01 : f32
    %mul3A_12 = vector.broadcast %mul3A : f32 to vector<1x20000xf32>
    %mul3A_13 = arith.mulf %mul3A_12, %sub3A : vector<1x20000xf32>
    %add3A = arith.addf %get3A_1, %mul3A_13 : vector<1x20000xf32>
    %mul3A_14 = arith.constant 5.000000e-01 : f32
    %mul3A_15 = vector.broadcast %mul3A_14 : f32 to vector<1x20000xf32>
    %mul3A_16 = arith.mulf %mul3A_15, %sub3A_11 : vector<1x20000xf32>
    %add3A_17 = arith.addf %get3A_4, %mul3A_16 : vector<1x20000xf32>
    %get3A_18 = arith.constant 0 : index
    %get3A_19 = arith.constant 0 : index
    %get3A_20 = vector.load %arg0[%get3A_18, %get3A_19] : memref<4x20000xf32, #tpu.memory_space<vmem>>, vector<1x20000xf32>
    %get3A_21 = arith.constant 1 : index
    %get3A_22 = arith.constant 0 : index
    %get3A_23 = vector.load %arg0[%get3A_21, %get3A_22] : memref<4x20000xf32, #tpu.memory_space<vmem>>, vector<1x20000xf32>
    %get3A_24 = arith.constant 2 : index
    %get3A_25 = arith.constant 0 : index
    %get3A_26 = vector.load %arg0[%get3A_24, %get3A_25] : memref<4x20000xf32, #tpu.memory_space<vmem>>, vector<1x20000xf32>
    %get3A_27 = arith.constant 3 : index
    %get3A_28 = arith.constant 0 : index
    %get3A_29 = vector.load %arg0[%get3A_27, %get3A_28] : memref<4x20000xf32, #tpu.memory_space<vmem>>, vector<1x20000xf32>
    %mul3A_30 = arith.mulf %get3A_20, %sub3A : vector<1x20000xf32>
    %add3A_31 = arith.addf %mul3A_30, %add3A : vector<1x20000xf32>
    %mul3A_32 = arith.mulf %get3A_23, %sub3A_11 : vector<1x20000xf32>
    %add3A_33 = arith.addf %mul3A_32, %add3A_17 : vector<1x20000xf32>
    %min3A = arith.constant 4.000000e+00 : f32
    %min3A_34 = vector.broadcast %min3A : f32 to vector<1x20000xf32>
    %min3A_35 = arith.minimumf %get3A_26, %min3A_34 : vector<1x20000xf32>
    %exp3A = math.exp %min3A_35 : vector<1x20000xf32>
    %mul3A_36 = arith.mulf %exp3A, %sub3A : vector<1x20000xf32>
    %min3A_37 = arith.constant 4.000000e+00 : f32
    %min3A_38 = vector.broadcast %min3A_37 : f32 to vector<1x20000xf32>
    %min3A_39 = arith.minimumf %get3A_29, %min3A_38 : vector<1x20000xf32>
    %exp3A_40 = math.exp %min3A_39 : vector<1x20000xf32>
    %mul3A_41 = arith.mulf %exp3A_40, %sub3A_11 : vector<1x20000xf32>
    %mul3A_42 = arith.constant 5.000000e-01 : f32
    %mul3A_43 = vector.broadcast %mul3A_42 : f32 to vector<1x20000xf32>
    %mul3A_44 = arith.mulf %mul3A_43, %mul3A_36 : vector<1x20000xf32>
    %sub3A_45 = arith.subf %add3A_31, %mul3A_44 : vector<1x20000xf32>
    %jit3A = arith.constant 0.000000e+00 : f32
    %jit3A_46 = arith.constant 1.024000e+03 : f32
    %max3A = vector.broadcast %jit3A : f32 to vector<1x20000xf32>
    %max3A_47 = arith.maximumf %max3A, %sub3A_45 : vector<1x20000xf32>
    %min3A_48 = vector.broadcast %jit3A_46 : f32 to vector<1x20000xf32>
    %min3A_49 = arith.minimumf %min3A_48, %max3A_47 : vector<1x20000xf32>
    %swap3A = arith.constant 0 : index
    %swap3A_50 = arith.constant 0 : index
    %swap3A_51 = vector.load %arg2[%swap3A, %swap3A_50] : memref<4x20000xf32, #tpu.memory_space<vmem>>, vector<1x20000xf32>
    tpu.vector_store %arg2[%swap3A, %swap3A_50], %min3A_49 {strides = array<i32>} : memref<4x20000xf32, #tpu.memory_space<vmem>>, vector<1x20000xf32>,
    %mul3A_52 = arith.constant 5.000000e-01 : f32
    %mul3A_53 = vector.broadcast %mul3A_52 : f32 to vector<1x20000xf32>
    %mul3A_54 = arith.mulf %mul3A_53, %mul3A_41 : vector<1x20000xf32>
    %sub3A_55 = arith.subf %add3A_33, %mul3A_54 : vector<1x20000xf32>
    %jit3A_56 = arith.constant 0.000000e+00 : f32
    %jit3A_57 = arith.constant 1.024000e+03 : f32
    %max3A_58 = vector.broadcast %jit3A_56 : f32 to vector<1x20000xf32>
    %max3A_59 = arith.maximumf %max3A_58, %sub3A_55 : vector<1x20000xf32>
    %min3A_60 = vector.broadcast %jit3A_57 : f32 to vector<1x20000xf32>
    %min3A_61 = arith.minimumf %min3A_60, %max3A_59 : vector<1x20000xf32>
    %swap3A_62 = arith.constant 1 : index
    %swap3A_63 = arith.constant 0 : index
    %swap3A_64 = vector.load %arg2[%swap3A_62, %swap3A_63] : memref<4x20000xf32, #tpu.memory_space<vmem>>, vector<1x20000xf32>
    tpu.vector_store %arg2[%swap3A_62, %swap3A_63], %min3A_61 {strides = array<i32>} : memref<4x20000xf32, #tpu.memory_space<vmem>>, vector<1x20000xf32>,
    %mul3A_65 = arith.constant 5.000000e-01 : f32
    %mul3A_66 = vector.broadcast %mul3A_65 : f32 to vector<1x20000xf32>
    %mul3A_67 = arith.mulf %mul3A_66, %mul3A_36 : vector<1x20000xf32>
    %add3A_68 = arith.addf %add3A_31, %mul3A_67 : vector<1x20000xf32>
    %jit3A_69 = arith.constant 0.000000e+00 : f32
    %jit3A_70 = arith.constant 1.024000e+03 : f32
    %max3A_71 = vector.broadcast %jit3A_69 : f32 to vector<1x20000xf32>
    %max3A_72 = arith.maximumf %max3A_71, %add3A_68 : vector<1x20000xf32>
    %min3A_73 = vector.broadcast %jit3A_70 : f32 to vector<1x20000xf32>
    %min3A_74 = arith.minimumf %min3A_73, %max3A_72 : vector<1x20000xf32>
    %swap3A_75 = arith.constant 2 : index
    %swap3A_76 = arith.constant 0 : index
    %swap3A_77 = vector.load %arg2[%swap3A_75, %swap3A_76] : memref<4x20000xf32, #tpu.memory_space<vmem>>, vector<1x20000xf32>
    tpu.vector_store %arg2[%swap3A_75, %swap3A_76], %min3A_74 {strides = array<i32>} : memref<4x20000xf32, #tpu.memory_space<vmem>>, vector<1x20000xf32>,
    %mul3A_78 = arith.constant 5.000000e-01 : f32
    %mul3A_79 = vector.broadcast %mul3A_78 : f32 to vector<1x20000xf32>
    %mul3A_80 = arith.mulf %mul3A_79, %mul3A_41 : vector<1x20000xf32>
    %add3A_81 = arith.addf %add3A_33, %mul3A_80 : vector<1x20000xf32>
    %jit3A_82 = arith.constant 0.000000e+00 : f32
    %jit3A_83 = arith.constant 1.024000e+03 : f32
    %max3A_84 = vector.broadcast %jit3A_82 : f32 to vector<1x20000xf32>
    %max3A_85 = arith.maximumf %max3A_84, %add3A_81 : vector<1x20000xf32>
    %min3A_86 = vector.broadcast %jit3A_83 : f32 to vector<1x20000xf32>
    %min3A_87 = arith.minimumf %min3A_86, %max3A_85 : vector<1x20000xf32>
    %swap3A_88 = arith.constant 3 : index
    %swap3A_89 = arith.constant 0 : index
    %swap3A_90 = vector.load %arg2[%swap3A_88, %swap3A_89] : memref<4x20000xf32, #tpu.memory_space<vmem>>, vector<1x20000xf32>
    tpu.vector_store %arg2[%swap3A_88, %swap3A_89], %min3A_87 {strides = array<i32>} : memref<4x20000xf32, #tpu.memory_space<vmem>>, vector<1x20000xf32>,
    return
  }
}

module attributes {stable_mosaic.version = 14 : i64} {
  func.func @_nms_body(%arg0: memref<20224x128xf32, #tpu.memory_space<vmem>>, %arg1: memref<8x128xf32, #tpu.memory_space<vmem>>, %arg2: memref<8x128xf32, #tpu.memory_space<vmem>>, %arg3: memref<8x128xf32, #tpu.memory_space<vmem>>, %arg4: memref<8x128xf32, #tpu.memory_space<vmem>>, %arg5: memref<8x128xf32, #tpu.memory_space<vmem>>) attributes {dimension_semantics = [], scalar_prefetch = 0 : i64, scratch_operands = 0 : i64, tpu.core_type = #tpu.core_type<tc>} {
    %iota3A = tpu.iota {dimensions = array<i32: 1>} : vector<8x128xi32>
    %broadcast_in_dim3A = arith.constant 0.000000e+00 : f32
    %broadcast_in_dim3A_0 = vector.broadcast %broadcast_in_dim3A : f32 to vector<8x128xf32>
    %iota3A_1 = tpu.iota {dimensions = array<i32: 0>} : vector<8x128xi32>
    %mul3A = arith.constant 128 : i32
    %mul3A_2 = vector.broadcast %mul3A : i32 to vector<8x128xi32>
    %mul3A_3 = arith.muli %iota3A_1, %mul3A_2 : vector<8x128xi32>
    %add3A = arith.addi %mul3A_3, %iota3A : vector<8x128xi32>
    %iota3A_4 = tpu.iota {dimensions = array<i32: 0>} : vector<8x1xi32>
    %lt3A = arith.constant 1 : i32
    %lt3A_5 = vector.broadcast %lt3A : i32 to vector<8x1xi32>
    %lt3A_6 = arith.cmpi slt, %iota3A_4, %lt3A_5 : vector<8x1xi32>
    %add3A_7 = arith.constant 0 : i32
    %add3A_8 = vector.broadcast %add3A_7 : i32 to vector<8x1xi32>
    %add3A_9 = arith.addi %add3A_8, %iota3A_4 : vector<8x1xi32>
    %shift_left3A = arith.constant 1 : i32
    %shift_left3A_10 = vector.broadcast %shift_left3A : i32 to vector<8x1xi32>
    %shift_left3A_11 = arith.shli %shift_left3A_10, %add3A_9 : vector<8x1xi32>
    %jit3A = arith.constant 0 : i32
    %broadcast_in_dim3A_12 = vector.broadcast %jit3A : i32 to vector<8x1xi32>
    %select_n3A = arith.select %lt3A_6, %shift_left3A_11, %broadcast_in_dim3A_12 : vector<8x1xi1>, vector<8x1xi32>
    %lt3A_13 = arith.constant 2 : i32
    %lt3A_14 = vector.broadcast %lt3A_13 : i32 to vector<8x1xi32>
    %lt3A_15 = arith.cmpi slt, %iota3A_4, %lt3A_14 : vector<8x1xi32>
    %add3A_16 = arith.constant 1 : i32
    %add3A_17 = vector.broadcast %add3A_16 : i32 to vector<8x1xi32>
    %add3A_18 = arith.addi %add3A_17, %iota3A_4 : vector<8x1xi32>
    %shift_left3A_19 = arith.constant 1 : i32
    %shift_left3A_20 = vector.broadcast %shift_left3A_19 : i32 to vector<8x1xi32>
    %shift_left3A_21 = arith.shli %shift_left3A_20, %add3A_18 : vector<8x1xi32>
    %jit3A_22 = arith.constant 0 : i32
    %broadcast_in_dim3A_23 = vector.broadcast %jit3A_22 : i32 to vector<8x1xi32>
    %select_n3A_24 = arith.select %lt3A_15, %shift_left3A_21, %broadcast_in_dim3A_23 : vector<8x1xi1>, vector<8x1xi32>
    %lt3A_25 = arith.constant 3 : i32
    %lt3A_26 = vector.broadcast %lt3A_25 : i32 to vector<8x1xi32>
    %lt3A_27 = arith.cmpi slt, %iota3A_4, %lt3A_26 : vector<8x1xi32>
    %add3A_28 = arith.constant 3 : i32
    %add3A_29 = vector.broadcast %add3A_28 : i32 to vector<8x1xi32>
    %add3A_30 = arith.addi %add3A_29, %iota3A_4 : vector<8x1xi32>
    %shift_left3A_31 = arith.constant 1 : i32
    %shift_left3A_32 = vector.broadcast %shift_left3A_31 : i32 to vector<8x1xi32>
    %shift_left3A_33 = arith.shli %shift_left3A_32, %add3A_30 : vector<8x1xi32>
    %jit3A_34 = arith.constant 0 : i32
    %broadcast_in_dim3A_35 = vector.broadcast %jit3A_34 : i32 to vector<8x1xi32>
    %select_n3A_36 = arith.select %lt3A_27, %shift_left3A_33, %broadcast_in_dim3A_35 : vector<8x1xi1>, vector<8x1xi32>
    %lt3A_37 = arith.constant 4 : i32
    %lt3A_38 = vector.broadcast %lt3A_37 : i32 to vector<8x1xi32>
    %lt3A_39 = arith.cmpi slt, %iota3A_4, %lt3A_38 : vector<8x1xi32>
    %add3A_40 = arith.constant 6 : i32
    %add3A_41 = vector.broadcast %add3A_40 : i32 to vector<8x1xi32>
    %add3A_42 = arith.addi %add3A_41, %iota3A_4 : vector<8x1xi32>
    %shift_left3A_43 = arith.constant 1 : i32
    %shift_left3A_44 = vector.broadcast %shift_left3A_43 : i32 to vector<8x1xi32>
    %shift_left3A_45 = arith.shli %shift_left3A_44, %add3A_42 : vector<8x1xi32>
    %jit3A_46 = arith.constant 0 : i32
    %broadcast_in_dim3A_47 = vector.broadcast %jit3A_46 : i32 to vector<8x1xi32>
    %select_n3A_48 = arith.select %lt3A_39, %shift_left3A_45, %broadcast_in_dim3A_47 : vector<8x1xi1>, vector<8x1xi32>
    %lt3A_49 = arith.constant 5 : i32
    %lt3A_50 = vector.broadcast %lt3A_49 : i32 to vector<8x1xi32>
    %lt3A_51 = arith.cmpi slt, %iota3A_4, %lt3A_50 : vector<8x1xi32>
    %add3A_52 = arith.constant 10 : i32
    %add3A_53 = vector.broadcast %add3A_52 : i32 to vector<8x1xi32>
    %add3A_54 = arith.addi %add3A_53, %iota3A_4 : vector<8x1xi32>
    %shift_left3A_55 = arith.constant 1 : i32
    %shift_left3A_56 = vector.broadcast %shift_left3A_55 : i32 to vector<8x1xi32>
    %shift_left3A_57 = arith.shli %shift_left3A_56, %add3A_54 : vector<8x1xi32>
    %jit3A_58 = arith.constant 0 : i32
    %broadcast_in_dim3A_59 = vector.broadcast %jit3A_58 : i32 to vector<8x1xi32>
    %select_n3A_60 = arith.select %lt3A_51, %shift_left3A_57, %broadcast_in_dim3A_59 : vector<8x1xi1>, vector<8x1xi32>
    %lt3A_61 = arith.constant 6 : i32
    %lt3A_62 = vector.broadcast %lt3A_61 : i32 to vector<8x1xi32>
    %lt3A_63 = arith.cmpi slt, %iota3A_4, %lt3A_62 : vector<8x1xi32>
    %add3A_64 = arith.constant 15 : i32
    %add3A_65 = vector.broadcast %add3A_64 : i32 to vector<8x1xi32>
    %add3A_66 = arith.addi %add3A_65, %iota3A_4 : vector<8x1xi32>
    %shift_left3A_67 = arith.constant 1 : i32
    %shift_left3A_68 = vector.broadcast %shift_left3A_67 : i32 to vector<8x1xi32>
    %shift_left3A_69 = arith.shli %shift_left3A_68, %add3A_66 : vector<8x1xi32>
    %jit3A_70 = arith.constant 0 : i32
    %broadcast_in_dim3A_71 = vector.broadcast %jit3A_70 : i32 to vector<8x1xi32>
    %select_n3A_72 = arith.select %lt3A_63, %shift_left3A_69, %broadcast_in_dim3A_71 : vector<8x1xi1>, vector<8x1xi32>
    %lt3A_73 = arith.constant 7 : i32
    %lt3A_74 = vector.broadcast %lt3A_73 : i32 to vector<8x1xi32>
    %lt3A_75 = arith.cmpi slt, %iota3A_4, %lt3A_74 : vector<8x1xi32>
    %add3A_76 = arith.constant 21 : i32
    %add3A_77 = vector.broadcast %add3A_76 : i32 to vector<8x1xi32>
    %add3A_78 = arith.addi %add3A_77, %iota3A_4 : vector<8x1xi32>
    %shift_left3A_79 = arith.constant 1 : i32
    %shift_left3A_80 = vector.broadcast %shift_left3A_79 : i32 to vector<8x1xi32>
    %shift_left3A_81 = arith.shli %shift_left3A_80, %add3A_78 : vector<8x1xi32>
    %jit3A_82 = arith.constant 0 : i32
    %broadcast_in_dim3A_83 = vector.broadcast %jit3A_82 : i32 to vector<8x1xi32>
    %select_n3A_84 = arith.select %lt3A_75, %shift_left3A_81, %broadcast_in_dim3A_83 : vector<8x1xi1>, vector<8x1xi32>
    %iota3A_85 = tpu.iota {dimensions = array<i32: 0>} : vector<8x128xi32>
    %shift_left3A_86 = arith.constant 1 : i32
    %shift_left3A_87 = vector.broadcast %shift_left3A_86 : i32 to vector<8x128xi32>
    %shift_left3A_88 = arith.shli %shift_left3A_87, %iota3A_85 : vector<8x128xi32>
    %while3A = arith.constant 0 : i32
    %while3A_89 = arith.constant 0 : i32
    %while3A_90 = arith.constant 0 : i32
    %while3A_91:10 = scf.while (%while3A_111 = %while3A, %while3A_112 = %while3A_89, %while3A_113 = %while3A_90, %while3A_114 = %broadcast_in_dim3A_0, %while3A_115 = %broadcast_in_dim3A_0, %while3A_116 = %broadcast_in_dim3A_0, %while3A_117 = %broadcast_in_dim3A_0, %while3A_118 = %broadcast_in_dim3A_0, %while3A_119 = %broadcast_in_dim3A_0, %while3A_120 = %broadcast_in_dim3A_0) : (i32, i32, i32, vector<8x128xf32>, vector<8x128xf32>, vector<8x128xf32>, vector<8x128xf32>, vector<8x128xf32>, vector<8x128xf32>, vector<8x128xf32>) -> (i32, i32, i32, vector<8x128xf32>, vector<8x128xf32>, vector<8x128xf32>, vector<8x128xf32>, vector<8x128xf32>, vector<8x128xf32>, vector<8x128xf32>) {
      %lt3A_121 = arith.constant 20000 : i32
      %lt3A_122 = arith.cmpi slt, %while3A_111, %lt3A_121 : i32
      %lt3A_123 = arith.constant 1000 : i32
      %lt3A_124 = arith.cmpi slt, %while3A_112, %lt3A_123 : i32
      %and3A = arith.andi %lt3A_122, %lt3A_124 : i1
      %eq3A = arith.constant 0 : i32
      %eq3A_125 = arith.cmpi eq, %while3A_113, %eq3A : i32
      %and3A_126 = arith.andi %and3A, %eq3A_125 : i1
      scf.condition(%and3A_126) %while3A_111, %while3A_112, %while3A_113, %while3A_114, %while3A_115, %while3A_116, %while3A_117, %while3A_118, %while3A_119, %while3A_120 : i32, i32, i32, vector<8x128xf32>, vector<8x128xf32>, vector<8x128xf32>, vector<8x128xf32>, vector<8x128xf32>, vector<8x128xf32>, vector<8x128xf32>
    } do {
    ^bb0(%while3A_111: i32, %while3A_112: i32, %while3A_113: i32, %while3A_114: vector<8x128xf32>, %while3A_115: vector<8x128xf32>, %while3A_116: vector<8x128xf32>, %while3A_117: vector<8x128xf32>, %while3A_118: vector<8x128xf32>, %while3A_119: vector<8x128xf32>, %while3A_120: vector<8x128xf32>):
      %get3A = arith.index_cast %while3A_111 : i32 to index
      %get3A_121 = arith.constant 0 : index
      %get3A_122 = vector.load %arg0[%get3A, %get3A_121] : memref<20224x128xf32, #tpu.memory_space<vmem>>, vector<8x128xf32>
      %slice3A = vector.extract_strided_slice %get3A_122 {offsets = [0, 0], sizes = [8, 1], strides = [1, 1]} : vector<8x128xf32> to vector<8x1xf32>
      %slice3A_123 = vector.extract_strided_slice %get3A_122 {offsets = [0, 1], sizes = [8, 1], strides = [1, 1]} : vector<8x128xf32> to vector<8x1xf32>
      %slice3A_124 = vector.extract_strided_slice %get3A_122 {offsets = [0, 2], sizes = [8, 1], strides = [1, 1]} : vector<8x128xf32> to vector<8x1xf32>
      %slice3A_125 = vector.extract_strided_slice %get3A_122 {offsets = [0, 3], sizes = [8, 1], strides = [1, 1]} : vector<8x128xf32> to vector<8x1xf32>
      %slice3A_126 = vector.extract_strided_slice %get3A_122 {offsets = [0, 5], sizes = [8, 1], strides = [1, 1]} : vector<8x128xf32> to vector<8x1xf32>
      %slice3A_127 = vector.extract_strided_slice %get3A_122 {offsets = [0, 4], sizes = [1, 1], strides = [1, 1]} : vector<8x128xf32> to vector<1x1xf32>
      %squeeze3A = vector.extract %slice3A_127[0, 0] : f32 from vector<1x1xf32>
      %slice3A_128 = vector.extract_strided_slice %get3A_122 {offsets = [1, 4], sizes = [1, 1], strides = [1, 1]} : vector<8x128xf32> to vector<1x1xf32>
      %squeeze3A_129 = vector.extract %slice3A_128[0, 0] : f32 from vector<1x1xf32>
      %slice3A_130 = vector.extract_strided_slice %get3A_122 {offsets = [2, 4], sizes = [1, 1], strides = [1, 1]} : vector<8x128xf32> to vector<1x1xf32>
      %squeeze3A_131 = vector.extract %slice3A_130[0, 0] : f32 from vector<1x1xf32>
      %slice3A_132 = vector.extract_strided_slice %get3A_122 {offsets = [3, 4], sizes = [1, 1], strides = [1, 1]} : vector<8x128xf32> to vector<1x1xf32>
      %squeeze3A_133 = vector.extract %slice3A_132[0, 0] : f32 from vector<1x1xf32>
      %slice3A_134 = vector.extract_strided_slice %get3A_122 {offsets = [4, 4], sizes = [1, 1], strides = [1, 1]} : vector<8x128xf32> to vector<1x1xf32>
      %squeeze3A_135 = vector.extract %slice3A_134[0, 0] : f32 from vector<1x1xf32>
      %slice3A_136 = vector.extract_strided_slice %get3A_122 {offsets = [5, 4], sizes = [1, 1], strides = [1, 1]} : vector<8x128xf32> to vector<1x1xf32>
      %squeeze3A_137 = vector.extract %slice3A_136[0, 0] : f32 from vector<1x1xf32>
      %slice3A_138 = vector.extract_strided_slice %get3A_122 {offsets = [6, 4], sizes = [1, 1], strides = [1, 1]} : vector<8x128xf32> to vector<1x1xf32>
      %squeeze3A_139 = vector.extract %slice3A_138[0, 0] : f32 from vector<1x1xf32>
      %slice3A_140 = vector.extract_strided_slice %get3A_122 {offsets = [7, 4], sizes = [1, 1], strides = [1, 1]} : vector<8x128xf32> to vector<1x1xf32>
      %squeeze3A_141 = vector.extract %slice3A_140[0, 0] : f32 from vector<1x1xf32>
      %slice3A_142 = vector.extract_strided_slice %get3A_122 {offsets = [0, 5], sizes = [1, 1], strides = [1, 1]} : vector<8x128xf32> to vector<1x1xf32>
      %squeeze3A_143 = vector.extract %slice3A_142[0, 0] : f32 from vector<1x1xf32>
      %slice3A_144 = vector.extract_strided_slice %get3A_122 {offsets = [1, 5], sizes = [1, 1], strides = [1, 1]} : vector<8x128xf32> to vector<1x1xf32>
      %squeeze3A_145 = vector.extract %slice3A_144[0, 0] : f32 from vector<1x1xf32>
      %slice3A_146 = vector.extract_strided_slice %get3A_122 {offsets = [2, 5], sizes = [1, 1], strides = [1, 1]} : vector<8x128xf32> to vector<1x1xf32>
      %squeeze3A_147 = vector.extract %slice3A_146[0, 0] : f32 from vector<1x1xf32>
      %slice3A_148 = vector.extract_strided_slice %get3A_122 {offsets = [3, 5], sizes = [1, 1], strides = [1, 1]} : vector<8x128xf32> to vector<1x1xf32>
      %squeeze3A_149 = vector.extract %slice3A_148[0, 0] : f32 from vector<1x1xf32>
      %slice3A_150 = vector.extract_strided_slice %get3A_122 {offsets = [4, 5], sizes = [1, 1], strides = [1, 1]} : vector<8x128xf32> to vector<1x1xf32>
      %squeeze3A_151 = vector.extract %slice3A_150[0, 0] : f32 from vector<1x1xf32>
      %slice3A_152 = vector.extract_strided_slice %get3A_122 {offsets = [5, 5], sizes = [1, 1], strides = [1, 1]} : vector<8x128xf32> to vector<1x1xf32>
      %squeeze3A_153 = vector.extract %slice3A_152[0, 0] : f32 from vector<1x1xf32>
      %slice3A_154 = vector.extract_strided_slice %get3A_122 {offsets = [6, 5], sizes = [1, 1], strides = [1, 1]} : vector<8x128xf32> to vector<1x1xf32>
      %squeeze3A_155 = vector.extract %slice3A_154[0, 0] : f32 from vector<1x1xf32>
      %slice3A_156 = vector.extract_strided_slice %get3A_122 {offsets = [7, 5], sizes = [1, 1], strides = [1, 1]} : vector<8x128xf32> to vector<1x1xf32>
      %squeeze3A_157 = vector.extract %slice3A_156[0, 0] : f32 from vector<1x1xf32>
      %slice3A_158 = vector.extract_strided_slice %get3A_122 {offsets = [0, 0], sizes = [1, 1], strides = [1, 1]} : vector<8x128xf32> to vector<1x1xf32>
      %squeeze3A_159 = vector.extract %slice3A_158[0, 0] : f32 from vector<1x1xf32>
      %slice3A_160 = vector.extract_strided_slice %get3A_122 {offsets = [1, 0], sizes = [1, 1], strides = [1, 1]} : vector<8x128xf32> to vector<1x1xf32>
      %squeeze3A_161 = vector.extract %slice3A_160[0, 0] : f32 from vector<1x1xf32>
      %slice3A_162 = vector.extract_strided_slice %get3A_122 {offsets = [2, 0], sizes = [1, 1], strides = [1, 1]} : vector<8x128xf32> to vector<1x1xf32>
      %squeeze3A_163 = vector.extract %slice3A_162[0, 0] : f32 from vector<1x1xf32>
      %slice3A_164 = vector.extract_strided_slice %get3A_122 {offsets = [3, 0], sizes = [1, 1], strides = [1, 1]} : vector<8x128xf32> to vector<1x1xf32>
      %squeeze3A_165 = vector.extract %slice3A_164[0, 0] : f32 from vector<1x1xf32>
      %slice3A_166 = vector.extract_strided_slice %get3A_122 {offsets = [4, 0], sizes = [1, 1], strides = [1, 1]} : vector<8x128xf32> to vector<1x1xf32>
      %squeeze3A_167 = vector.extract %slice3A_166[0, 0] : f32 from vector<1x1xf32>
      %slice3A_168 = vector.extract_strided_slice %get3A_122 {offsets = [5, 0], sizes = [1, 1], strides = [1, 1]} : vector<8x128xf32> to vector<1x1xf32>
      %squeeze3A_169 = vector.extract %slice3A_168[0, 0] : f32 from vector<1x1xf32>
      %slice3A_170 = vector.extract_strided_slice %get3A_122 {offsets = [6, 0], sizes = [1, 1], strides = [1, 1]} : vector<8x128xf32> to vector<1x1xf32>
      %squeeze3A_171 = vector.extract %slice3A_170[0, 0] : f32 from vector<1x1xf32>
      %slice3A_172 = vector.extract_strided_slice %get3A_122 {offsets = [7, 0], sizes = [1, 1], strides = [1, 1]} : vector<8x128xf32> to vector<1x1xf32>
      %squeeze3A_173 = vector.extract %slice3A_172[0, 0] : f32 from vector<1x1xf32>
      %slice3A_174 = vector.extract_strided_slice %get3A_122 {offsets = [0, 1], sizes = [1, 1], strides = [1, 1]} : vector<8x128xf32> to vector<1x1xf32>
      %squeeze3A_175 = vector.extract %slice3A_174[0, 0] : f32 from vector<1x1xf32>
      %slice3A_176 = vector.extract_strided_slice %get3A_122 {offsets = [1, 1], sizes = [1, 1], strides = [1, 1]} : vector<8x128xf32> to vector<1x1xf32>
      %squeeze3A_177 = vector.extract %slice3A_176[0, 0] : f32 from vector<1x1xf32>
      %slice3A_178 = vector.extract_strided_slice %get3A_122 {offsets = [2, 1], sizes = [1, 1], strides = [1, 1]} : vector<8x128xf32> to vector<1x1xf32>
      %squeeze3A_179 = vector.extract %slice3A_178[0, 0] : f32 from vector<1x1xf32>
      %slice3A_180 = vector.extract_strided_slice %get3A_122 {offsets = [3, 1], sizes = [1, 1], strides = [1, 1]} : vector<8x128xf32> to vector<1x1xf32>
      %squeeze3A_181 = vector.extract %slice3A_180[0, 0] : f32 from vector<1x1xf32>
      %slice3A_182 = vector.extract_strided_slice %get3A_122 {offsets = [4, 1], sizes = [1, 1], strides = [1, 1]} : vector<8x128xf32> to vector<1x1xf32>
      %squeeze3A_183 = vector.extract %slice3A_182[0, 0] : f32 from vector<1x1xf32>
      %slice3A_184 = vector.extract_strided_slice %get3A_122 {offsets = [5, 1], sizes = [1, 1], strides = [1, 1]} : vector<8x128xf32> to vector<1x1xf32>
      %squeeze3A_185 = vector.extract %slice3A_184[0, 0] : f32 from vector<1x1xf32>
      %slice3A_186 = vector.extract_strided_slice %get3A_122 {offsets = [6, 1], sizes = [1, 1], strides = [1, 1]} : vector<8x128xf32> to vector<1x1xf32>
      %squeeze3A_187 = vector.extract %slice3A_186[0, 0] : f32 from vector<1x1xf32>
      %slice3A_188 = vector.extract_strided_slice %get3A_122 {offsets = [7, 1], sizes = [1, 1], strides = [1, 1]} : vector<8x128xf32> to vector<1x1xf32>
      %squeeze3A_189 = vector.extract %slice3A_188[0, 0] : f32 from vector<1x1xf32>
      %slice3A_190 = vector.extract_strided_slice %get3A_122 {offsets = [0, 2], sizes = [1, 1], strides = [1, 1]} : vector<8x128xf32> to vector<1x1xf32>
      %squeeze3A_191 = vector.extract %slice3A_190[0, 0] : f32 from vector<1x1xf32>
      %slice3A_192 = vector.extract_strided_slice %get3A_122 {offsets = [1, 2], sizes = [1, 1], strides = [1, 1]} : vector<8x128xf32> to vector<1x1xf32>
      %squeeze3A_193 = vector.extract %slice3A_192[0, 0] : f32 from vector<1x1xf32>
      %slice3A_194 = vector.extract_strided_slice %get3A_122 {offsets = [2, 2], sizes = [1, 1], strides = [1, 1]} : vector<8x128xf32> to vector<1x1xf32>
      %squeeze3A_195 = vector.extract %slice3A_194[0, 0] : f32 from vector<1x1xf32>
      %slice3A_196 = vector.extract_strided_slice %get3A_122 {offsets = [3, 2], sizes = [1, 1], strides = [1, 1]} : vector<8x128xf32> to vector<1x1xf32>
      %squeeze3A_197 = vector.extract %slice3A_196[0, 0] : f32 from vector<1x1xf32>
      %slice3A_198 = vector.extract_strided_slice %get3A_122 {offsets = [4, 2], sizes = [1, 1], strides = [1, 1]} : vector<8x128xf32> to vector<1x1xf32>
      %squeeze3A_199 = vector.extract %slice3A_198[0, 0] : f32 from vector<1x1xf32>
      %slice3A_200 = vector.extract_strided_slice %get3A_122 {offsets = [5, 2], sizes = [1, 1], strides = [1, 1]} : vector<8x128xf32> to vector<1x1xf32>
      %squeeze3A_201 = vector.extract %slice3A_200[0, 0] : f32 from vector<1x1xf32>
      %slice3A_202 = vector.extract_strided_slice %get3A_122 {offsets = [6, 2], sizes = [1, 1], strides = [1, 1]} : vector<8x128xf32> to vector<1x1xf32>
      %squeeze3A_203 = vector.extract %slice3A_202[0, 0] : f32 from vector<1x1xf32>
      %slice3A_204 = vector.extract_strided_slice %get3A_122 {offsets = [7, 2], sizes = [1, 1], strides = [1, 1]} : vector<8x128xf32> to vector<1x1xf32>
      %squeeze3A_205 = vector.extract %slice3A_204[0, 0] : f32 from vector<1x1xf32>
      %slice3A_206 = vector.extract_strided_slice %get3A_122 {offsets = [0, 3], sizes = [1, 1], strides = [1, 1]} : vector<8x128xf32> to vector<1x1xf32>
      %squeeze3A_207 = vector.extract %slice3A_206[0, 0] : f32 from vector<1x1xf32>
      %slice3A_208 = vector.extract_strided_slice %get3A_122 {offsets = [1, 3], sizes = [1, 1], strides = [1, 1]} : vector<8x128xf32> to vector<1x1xf32>
      %squeeze3A_209 = vector.extract %slice3A_208[0, 0] : f32 from vector<1x1xf32>
      %slice3A_210 = vector.extract_strided_slice %get3A_122 {offsets = [2, 3], sizes = [1, 1], strides = [1, 1]} : vector<8x128xf32> to vector<1x1xf32>
      %squeeze3A_211 = vector.extract %slice3A_210[0, 0] : f32 from vector<1x1xf32>
      %slice3A_212 = vector.extract_strided_slice %get3A_122 {offsets = [3, 3], sizes = [1, 1], strides = [1, 1]} : vector<8x128xf32> to vector<1x1xf32>
      %squeeze3A_213 = vector.extract %slice3A_212[0, 0] : f32 from vector<1x1xf32>
      %slice3A_214 = vector.extract_strided_slice %get3A_122 {offsets = [4, 3], sizes = [1, 1], strides = [1, 1]} : vector<8x128xf32> to vector<1x1xf32>
      %squeeze3A_215 = vector.extract %slice3A_214[0, 0] : f32 from vector<1x1xf32>
      %slice3A_216 = vector.extract_strided_slice %get3A_122 {offsets = [5, 3], sizes = [1, 1], strides = [1, 1]} : vector<8x128xf32> to vector<1x1xf32>
      %squeeze3A_217 = vector.extract %slice3A_216[0, 0] : f32 from vector<1x1xf32>
      %slice3A_218 = vector.extract_strided_slice %get3A_122 {offsets = [6, 3], sizes = [1, 1], strides = [1, 1]} : vector<8x128xf32> to vector<1x1xf32>
      %squeeze3A_219 = vector.extract %slice3A_218[0, 0] : f32 from vector<1x1xf32>
      %slice3A_220 = vector.extract_strided_slice %get3A_122 {offsets = [7, 3], sizes = [1, 1], strides = [1, 1]} : vector<8x128xf32> to vector<1x1xf32>
      %squeeze3A_221 = vector.extract %slice3A_220[0, 0] : f32 from vector<1x1xf32>
      %gt3A = arith.constant 0.000000e+00 : f32
      %gt3A_222 = vector.broadcast %gt3A : f32 to vector<8x128xf32>
      %gt3A_223 = arith.cmpf ogt, %while3A_114, %gt3A_222 : vector<8x128xf32>
      %broadcast_in_dim3A_224 = arith.constant 0 : i32
      %broadcast_in_dim3A_225 = vector.broadcast %broadcast_in_dim3A_224 : i32 to vector<8x128xi32>
      %slice3A_226 = vector.extract_strided_slice %while3A_115 {offsets = [0, 0], sizes = [1, 128], strides = [1, 1]} : vector<8x128xf32> to vector<1x128xf32>
      %slice3A_227 = vector.extract_strided_slice %while3A_116 {offsets = [0, 0], sizes = [1, 128], strides = [1, 1]} : vector<8x128xf32> to vector<1x128xf32>
      %slice3A_228 = vector.extract_strided_slice %while3A_117 {offsets = [0, 0], sizes = [1, 128], strides = [1, 1]} : vector<8x128xf32> to vector<1x128xf32>
      %slice3A_229 = vector.extract_strided_slice %while3A_118 {offsets = [0, 0], sizes = [1, 128], strides = [1, 1]} : vector<8x128xf32> to vector<1x128xf32>
      %slice3A_230 = vector.extract_strided_slice %while3A_120 {offsets = [0, 0], sizes = [1, 128], strides = [1, 1]} : vector<8x128xf32> to vector<1x128xf32>
      %slice3A_231 = vector.extract_strided_slice %gt3A_223 {offsets = [0, 0], sizes = [1, 128], strides = [1, 1]} : vector<8x128xi1> to vector<1x128xi1>
      %max3A = vector.broadcast %slice3A_226 : vector<1x128xf32> to vector<8x128xf32>
      %max3A_232 = vector.broadcast %slice3A : vector<8x1xf32> to vector<8x128xf32>
      %max3A_233 = arith.maximumf %max3A, %max3A_232 : vector<8x128xf32>
      %max3A_234 = vector.broadcast %slice3A_227 : vector<1x128xf32> to vector<8x128xf32>
      %max3A_235 = vector.broadcast %slice3A_123 : vector<8x1xf32> to vector<8x128xf32>
      %max3A_236 = arith.maximumf %max3A_234, %max3A_235 : vector<8x128xf32>
      %min3A = vector.broadcast %slice3A_228 : vector<1x128xf32> to vector<8x128xf32>
      %min3A_237 = vector.broadcast %slice3A_124 : vector<8x1xf32> to vector<8x128xf32>
      %min3A_238 = arith.minimumf %min3A, %min3A_237 : vector<8x128xf32>
      %min3A_239 = vector.broadcast %slice3A_229 : vector<1x128xf32> to vector<8x128xf32>
      %min3A_240 = vector.broadcast %slice3A_125 : vector<8x1xf32> to vector<8x128xf32>
      %min3A_241 = arith.minimumf %min3A_239, %min3A_240 : vector<8x128xf32>
      %sub3A = arith.subf %min3A_238, %max3A_233 : vector<8x128xf32>
      %max3A_242 = arith.constant 0.000000e+00 : f32
      %max3A_243 = vector.broadcast %max3A_242 : f32 to vector<8x128xf32>
      %max3A_244 = arith.maximumf %sub3A, %max3A_243 : vector<8x128xf32>
      %sub3A_245 = arith.subf %min3A_241, %max3A_236 : vector<8x128xf32>
      %max3A_246 = arith.constant 0.000000e+00 : f32
      %max3A_247 = vector.broadcast %max3A_246 : f32 to vector<8x128xf32>
      %max3A_248 = arith.maximumf %sub3A_245, %max3A_247 : vector<8x128xf32>
      %mul3A_249 = arith.mulf %max3A_244, %max3A_248 : vector<8x128xf32>
      %add3A_250 = vector.broadcast %slice3A_230 : vector<1x128xf32> to vector<8x128xf32>
      %add3A_251 = vector.broadcast %slice3A_126 : vector<8x1xf32> to vector<8x128xf32>
      %add3A_252 = arith.addf %add3A_250, %add3A_251 : vector<8x128xf32>
      %sub3A_253 = arith.subf %add3A_252, %mul3A_249 : vector<8x128xf32>
      %add3A_254 = arith.constant 9.99999971E-10 : f32
      %add3A_255 = vector.broadcast %add3A_254 : f32 to vector<8x128xf32>
      %add3A_256 = arith.addf %sub3A_253, %add3A_255 : vector<8x128xf32>
      %div3A = arith.divf %mul3A_249, %add3A_256 : vector<8x128xf32>
      %gt3A_257 = arith.constant 5.000000e-01 : f32
      %gt3A_258 = vector.broadcast %gt3A_257 : f32 to vector<8x128xf32>
      %gt3A_259 = arith.cmpf ogt, %div3A, %gt3A_258 : vector<8x128xf32>
      %and3A = vector.broadcast %slice3A_231 : vector<1x128xi1> to vector<8x128xi1>
      %and3A_260 = arith.andi %gt3A_259, %and3A : vector<8x128xi1>
      %jit3A_261 = arith.constant 0 : i32
      %broadcast_in_dim3A_262 = vector.broadcast %jit3A_261 : i32 to vector<8x128xi32>
      %select_n3A_263 = arith.select %and3A_260, %shift_left3A_88, %broadcast_in_dim3A_262 : vector<8x128xi1>, vector<8x128xi32>
      %or3A = arith.ori %broadcast_in_dim3A_225, %select_n3A_263 : vector<8x128xi32>
      %slice3A_264 = vector.extract_strided_slice %while3A_115 {offsets = [1, 0], sizes = [1, 128], strides = [1, 1]} : vector<8x128xf32> to vector<1x128xf32>
      %slice3A_265 = vector.extract_strided_slice %while3A_116 {offsets = [1, 0], sizes = [1, 128], strides = [1, 1]} : vector<8x128xf32> to vector<1x128xf32>
      %slice3A_266 = vector.extract_strided_slice %while3A_117 {offsets = [1, 0], sizes = [1, 128], strides = [1, 1]} : vector<8x128xf32> to vector<1x128xf32>
      %slice3A_267 = vector.extract_strided_slice %while3A_118 {offsets = [1, 0], sizes = [1, 128], strides = [1, 1]} : vector<8x128xf32> to vector<1x128xf32>
      %slice3A_268 = vector.extract_strided_slice %while3A_120 {offsets = [1, 0], sizes = [1, 128], strides = [1, 1]} : vector<8x128xf32> to vector<1x128xf32>
      %slice3A_269 = vector.extract_strided_slice %gt3A_223 {offsets = [1, 0], sizes = [1, 128], strides = [1, 1]} : vector<8x128xi1> to vector<1x128xi1>
      %max3A_270 = vector.broadcast %slice3A_264 : vector<1x128xf32> to vector<8x128xf32>
      %max3A_271 = vector.broadcast %slice3A : vector<8x1xf32> to vector<8x128xf32>
      %max3A_272 = arith.maximumf %max3A_270, %max3A_271 : vector<8x128xf32>
      %max3A_273 = vector.broadcast %slice3A_265 : vector<1x128xf32> to vector<8x128xf32>
      %max3A_274 = vector.broadcast %slice3A_123 : vector<8x1xf32> to vector<8x128xf32>
      %max3A_275 = arith.maximumf %max3A_273, %max3A_274 : vector<8x128xf32>
      %min3A_276 = vector.broadcast %slice3A_266 : vector<1x128xf32> to vector<8x128xf32>
      %min3A_277 = vector.broadcast %slice3A_124 : vector<8x1xf32> to vector<8x128xf32>
      %min3A_278 = arith.minimumf %min3A_276, %min3A_277 : vector<8x128xf32>
      %min3A_279 = vector.broadcast %slice3A_267 : vector<1x128xf32> to vector<8x128xf32>
      %min3A_280 = vector.broadcast %slice3A_125 : vector<8x1xf32> to vector<8x128xf32>
      %min3A_281 = arith.minimumf %min3A_279, %min3A_280 : vector<8x128xf32>
      %sub3A_282 = arith.subf %min3A_278, %max3A_272 : vector<8x128xf32>
      %max3A_283 = arith.constant 0.000000e+00 : f32
      %max3A_284 = vector.broadcast %max3A_283 : f32 to vector<8x128xf32>
      %max3A_285 = arith.maximumf %sub3A_282, %max3A_284 : vector<8x128xf32>
      %sub3A_286 = arith.subf %min3A_281, %max3A_275 : vector<8x128xf32>
      %max3A_287 = arith.constant 0.000000e+00 : f32
      %max3A_288 = vector.broadcast %max3A_287 : f32 to vector<8x128xf32>
      %max3A_289 = arith.maximumf %sub3A_286, %max3A_288 : vector<8x128xf32>
      %mul3A_290 = arith.mulf %max3A_285, %max3A_289 : vector<8x128xf32>
      %add3A_291 = vector.broadcast %slice3A_268 : vector<1x128xf32> to vector<8x128xf32>
      %add3A_292 = vector.broadcast %slice3A_126 : vector<8x1xf32> to vector<8x128xf32>
      %add3A_293 = arith.addf %add3A_291, %add3A_292 : vector<8x128xf32>
      %sub3A_294 = arith.subf %add3A_293, %mul3A_290 : vector<8x128xf32>
      %add3A_295 = arith.constant 9.99999971E-10 : f32
      %add3A_296 = vector.broadcast %add3A_295 : f32 to vector<8x128xf32>
      %add3A_297 = arith.addf %sub3A_294, %add3A_296 : vector<8x128xf32>
      %div3A_298 = arith.divf %mul3A_290, %add3A_297 : vector<8x128xf32>
      %gt3A_299 = arith.constant 5.000000e-01 : f32
      %gt3A_300 = vector.broadcast %gt3A_299 : f32 to vector<8x128xf32>
      %gt3A_301 = arith.cmpf ogt, %div3A_298, %gt3A_300 : vector<8x128xf32>
      %and3A_302 = vector.broadcast %slice3A_269 : vector<1x128xi1> to vector<8x128xi1>
      %and3A_303 = arith.andi %gt3A_301, %and3A_302 : vector<8x128xi1>
      %jit3A_304 = arith.constant 0 : i32
      %broadcast_in_dim3A_305 = vector.broadcast %jit3A_304 : i32 to vector<8x128xi32>
      %select_n3A_306 = arith.select %and3A_303, %shift_left3A_88, %broadcast_in_dim3A_305 : vector<8x128xi1>, vector<8x128xi32>
      %or3A_307 = arith.ori %or3A, %select_n3A_306 : vector<8x128xi32>
      %slice3A_308 = vector.extract_strided_slice %while3A_115 {offsets = [2, 0], sizes = [1, 128], strides = [1, 1]} : vector<8x128xf32> to vector<1x128xf32>
      %slice3A_309 = vector.extract_strided_slice %while3A_116 {offsets = [2, 0], sizes = [1, 128], strides = [1, 1]} : vector<8x128xf32> to vector<1x128xf32>
      %slice3A_310 = vector.extract_strided_slice %while3A_117 {offsets = [2, 0], sizes = [1, 128], strides = [1, 1]} : vector<8x128xf32> to vector<1x128xf32>
      %slice3A_311 = vector.extract_strided_slice %while3A_118 {offsets = [2, 0], sizes = [1, 128], strides = [1, 1]} : vector<8x128xf32> to vector<1x128xf32>
      %slice3A_312 = vector.extract_strided_slice %while3A_120 {offsets = [2, 0], sizes = [1, 128], strides = [1, 1]} : vector<8x128xf32> to vector<1x128xf32>
      %slice3A_313 = vector.extract_strided_slice %gt3A_223 {offsets = [2, 0], sizes = [1, 128], strides = [1, 1]} : vector<8x128xi1> to vector<1x128xi1>
      %max3A_314 = vector.broadcast %slice3A_308 : vector<1x128xf32> to vector<8x128xf32>
      %max3A_315 = vector.broadcast %slice3A : vector<8x1xf32> to vector<8x128xf32>
      %max3A_316 = arith.maximumf %max3A_314, %max3A_315 : vector<8x128xf32>
      %max3A_317 = vector.broadcast %slice3A_309 : vector<1x128xf32> to vector<8x128xf32>
      %max3A_318 = vector.broadcast %slice3A_123 : vector<8x1xf32> to vector<8x128xf32>
      %max3A_319 = arith.maximumf %max3A_317, %max3A_318 : vector<8x128xf32>
      %min3A_320 = vector.broadcast %slice3A_310 : vector<1x128xf32> to vector<8x128xf32>
      %min3A_321 = vector.broadcast %slice3A_124 : vector<8x1xf32> to vector<8x128xf32>
      %min3A_322 = arith.minimumf %min3A_320, %min3A_321 : vector<8x128xf32>
      %min3A_323 = vector.broadcast %slice3A_311 : vector<1x128xf32> to vector<8x128xf32>
      %min3A_324 = vector.broadcast %slice3A_125 : vector<8x1xf32> to vector<8x128xf32>
      %min3A_325 = arith.minimumf %min3A_323, %min3A_324 : vector<8x128xf32>
      %sub3A_326 = arith.subf %min3A_322, %max3A_316 : vector<8x128xf32>
      %max3A_327 = arith.constant 0.000000e+00 : f32
      %max3A_328 = vector.broadcast %max3A_327 : f32 to vector<8x128xf32>
      %max3A_329 = arith.maximumf %sub3A_326, %max3A_328 : vector<8x128xf32>
      %sub3A_330 = arith.subf %min3A_325, %max3A_319 : vector<8x128xf32>
      %max3A_331 = arith.constant 0.000000e+00 : f32
      %max3A_332 = vector.broadcast %max3A_331 : f32 to vector<8x128xf32>
      %max3A_333 = arith.maximumf %sub3A_330, %max3A_332 : vector<8x128xf32>
      %mul3A_334 = arith.mulf %max3A_329, %max3A_333 : vector<8x128xf32>
      %add3A_335 = vector.broadcast %slice3A_312 : vector<1x128xf32> to vector<8x128xf32>
      %add3A_336 = vector.broadcast %slice3A_126 : vector<8x1xf32> to vector<8x128xf32>
      %add3A_337 = arith.addf %add3A_335, %add3A_336 : vector<8x128xf32>
      %sub3A_338 = arith.subf %add3A_337, %mul3A_334 : vector<8x128xf32>
      %add3A_339 = arith.constant 9.99999971E-10 : f32
      %add3A_340 = vector.broadcast %add3A_339 : f32 to vector<8x128xf32>
      %add3A_341 = arith.addf %sub3A_338, %add3A_340 : vector<8x128xf32>
      %div3A_342 = arith.divf %mul3A_334, %add3A_341 : vector<8x128xf32>
      %gt3A_343 = arith.constant 5.000000e-01 : f32
      %gt3A_344 = vector.broadcast %gt3A_343 : f32 to vector<8x128xf32>
      %gt3A_345 = arith.cmpf ogt, %div3A_342, %gt3A_344 : vector<8x128xf32>
      %and3A_346 = vector.broadcast %slice3A_313 : vector<1x128xi1> to vector<8x128xi1>
      %and3A_347 = arith.andi %gt3A_345, %and3A_346 : vector<8x128xi1>
      %jit3A_348 = arith.constant 0 : i32
      %broadcast_in_dim3A_349 = vector.broadcast %jit3A_348 : i32 to vector<8x128xi32>
      %select_n3A_350 = arith.select %and3A_347, %shift_left3A_88, %broadcast_in_dim3A_349 : vector<8x128xi1>, vector<8x128xi32>
      %or3A_351 = arith.ori %or3A_307, %select_n3A_350 : vector<8x128xi32>
      %slice3A_352 = vector.extract_strided_slice %while3A_115 {offsets = [3, 0], sizes = [1, 128], strides = [1, 1]} : vector<8x128xf32> to vector<1x128xf32>
      %slice3A_353 = vector.extract_strided_slice %while3A_116 {offsets = [3, 0], sizes = [1, 128], strides = [1, 1]} : vector<8x128xf32> to vector<1x128xf32>
      %slice3A_354 = vector.extract_strided_slice %while3A_117 {offsets = [3, 0], sizes = [1, 128], strides = [1, 1]} : vector<8x128xf32> to vector<1x128xf32>
      %slice3A_355 = vector.extract_strided_slice %while3A_118 {offsets = [3, 0], sizes = [1, 128], strides = [1, 1]} : vector<8x128xf32> to vector<1x128xf32>
      %slice3A_356 = vector.extract_strided_slice %while3A_120 {offsets = [3, 0], sizes = [1, 128], strides = [1, 1]} : vector<8x128xf32> to vector<1x128xf32>
      %slice3A_357 = vector.extract_strided_slice %gt3A_223 {offsets = [3, 0], sizes = [1, 128], strides = [1, 1]} : vector<8x128xi1> to vector<1x128xi1>
      %max3A_358 = vector.broadcast %slice3A_352 : vector<1x128xf32> to vector<8x128xf32>
      %max3A_359 = vector.broadcast %slice3A : vector<8x1xf32> to vector<8x128xf32>
      %max3A_360 = arith.maximumf %max3A_358, %max3A_359 : vector<8x128xf32>
      %max3A_361 = vector.broadcast %slice3A_353 : vector<1x128xf32> to vector<8x128xf32>
      %max3A_362 = vector.broadcast %slice3A_123 : vector<8x1xf32> to vector<8x128xf32>
      %max3A_363 = arith.maximumf %max3A_361, %max3A_362 : vector<8x128xf32>
      %min3A_364 = vector.broadcast %slice3A_354 : vector<1x128xf32> to vector<8x128xf32>
      %min3A_365 = vector.broadcast %slice3A_124 : vector<8x1xf32> to vector<8x128xf32>
      %min3A_366 = arith.minimumf %min3A_364, %min3A_365 : vector<8x128xf32>
      %min3A_367 = vector.broadcast %slice3A_355 : vector<1x128xf32> to vector<8x128xf32>
      %min3A_368 = vector.broadcast %slice3A_125 : vector<8x1xf32> to vector<8x128xf32>
      %min3A_369 = arith.minimumf %min3A_367, %min3A_368 : vector<8x128xf32>
      %sub3A_370 = arith.subf %min3A_366, %max3A_360 : vector<8x128xf32>
      %max3A_371 = arith.constant 0.000000e+00 : f32
      %max3A_372 = vector.broadcast %max3A_371 : f32 to vector<8x128xf32>
      %max3A_373 = arith.maximumf %sub3A_370, %max3A_372 : vector<8x128xf32>
      %sub3A_374 = arith.subf %min3A_369, %max3A_363 : vector<8x128xf32>
      %max3A_375 = arith.constant 0.000000e+00 : f32
      %max3A_376 = vector.broadcast %max3A_375 : f32 to vector<8x128xf32>
      %max3A_377 = arith.maximumf %sub3A_374, %max3A_376 : vector<8x128xf32>
      %mul3A_378 = arith.mulf %max3A_373, %max3A_377 : vector<8x128xf32>
      %add3A_379 = vector.broadcast %slice3A_356 : vector<1x128xf32> to vector<8x128xf32>
      %add3A_380 = vector.broadcast %slice3A_126 : vector<8x1xf32> to vector<8x128xf32>
      %add3A_381 = arith.addf %add3A_379, %add3A_380 : vector<8x128xf32>
      %sub3A_382 = arith.subf %add3A_381, %mul3A_378 : vector<8x128xf32>
      %add3A_383 = arith.constant 9.99999971E-10 : f32
      %add3A_384 = vector.broadcast %add3A_383 : f32 to vector<8x128xf32>
      %add3A_385 = arith.addf %sub3A_382, %add3A_384 : vector<8x128xf32>
      %div3A_386 = arith.divf %mul3A_378, %add3A_385 : vector<8x128xf32>
      %gt3A_387 = arith.constant 5.000000e-01 : f32
      %gt3A_388 = vector.broadcast %gt3A_387 : f32 to vector<8x128xf32>
      %gt3A_389 = arith.cmpf ogt, %div3A_386, %gt3A_388 : vector<8x128xf32>
      %and3A_390 = vector.broadcast %slice3A_357 : vector<1x128xi1> to vector<8x128xi1>
      %and3A_391 = arith.andi %gt3A_389, %and3A_390 : vector<8x128xi1>
      %jit3A_392 = arith.constant 0 : i32
      %broadcast_in_dim3A_393 = vector.broadcast %jit3A_392 : i32 to vector<8x128xi32>
      %select_n3A_394 = arith.select %and3A_391, %shift_left3A_88, %broadcast_in_dim3A_393 : vector<8x128xi1>, vector<8x128xi32>
      %or3A_395 = arith.ori %or3A_351, %select_n3A_394 : vector<8x128xi32>
      %slice3A_396 = vector.extract_strided_slice %while3A_115 {offsets = [4, 0], sizes = [1, 128], strides = [1, 1]} : vector<8x128xf32> to vector<1x128xf32>
      %slice3A_397 = vector.extract_strided_slice %while3A_116 {offsets = [4, 0], sizes = [1, 128], strides = [1, 1]} : vector<8x128xf32> to vector<1x128xf32>
      %slice3A_398 = vector.extract_strided_slice %while3A_117 {offsets = [4, 0], sizes = [1, 128], strides = [1, 1]} : vector<8x128xf32> to vector<1x128xf32>
      %slice3A_399 = vector.extract_strided_slice %while3A_118 {offsets = [4, 0], sizes = [1, 128], strides = [1, 1]} : vector<8x128xf32> to vector<1x128xf32>
      %slice3A_400 = vector.extract_strided_slice %while3A_120 {offsets = [4, 0], sizes = [1, 128], strides = [1, 1]} : vector<8x128xf32> to vector<1x128xf32>
      %slice3A_401 = vector.extract_strided_slice %gt3A_223 {offsets = [4, 0], sizes = [1, 128], strides = [1, 1]} : vector<8x128xi1> to vector<1x128xi1>
      %max3A_402 = vector.broadcast %slice3A_396 : vector<1x128xf32> to vector<8x128xf32>
      %max3A_403 = vector.broadcast %slice3A : vector<8x1xf32> to vector<8x128xf32>
      %max3A_404 = arith.maximumf %max3A_402, %max3A_403 : vector<8x128xf32>
      %max3A_405 = vector.broadcast %slice3A_397 : vector<1x128xf32> to vector<8x128xf32>
      %max3A_406 = vector.broadcast %slice3A_123 : vector<8x1xf32> to vector<8x128xf32>
      %max3A_407 = arith.maximumf %max3A_405, %max3A_406 : vector<8x128xf32>
      %min3A_408 = vector.broadcast %slice3A_398 : vector<1x128xf32> to vector<8x128xf32>
      %min3A_409 = vector.broadcast %slice3A_124 : vector<8x1xf32> to vector<8x128xf32>
      %min3A_410 = arith.minimumf %min3A_408, %min3A_409 : vector<8x128xf32>
      %min3A_411 = vector.broadcast %slice3A_399 : vector<1x128xf32> to vector<8x128xf32>
      %min3A_412 = vector.broadcast %slice3A_125 : vector<8x1xf32> to vector<8x128xf32>
      %min3A_413 = arith.minimumf %min3A_411, %min3A_412 : vector<8x128xf32>
      %sub3A_414 = arith.subf %min3A_410, %max3A_404 : vector<8x128xf32>
      %max3A_415 = arith.constant 0.000000e+00 : f32
      %max3A_416 = vector.broadcast %max3A_415 : f32 to vector<8x128xf32>
      %max3A_417 = arith.maximumf %sub3A_414, %max3A_416 : vector<8x128xf32>
      %sub3A_418 = arith.subf %min3A_413, %max3A_407 : vector<8x128xf32>
      %max3A_419 = arith.constant 0.000000e+00 : f32
      %max3A_420 = vector.broadcast %max3A_419 : f32 to vector<8x128xf32>
      %max3A_421 = arith.maximumf %sub3A_418, %max3A_420 : vector<8x128xf32>
      %mul3A_422 = arith.mulf %max3A_417, %max3A_421 : vector<8x128xf32>
      %add3A_423 = vector.broadcast %slice3A_400 : vector<1x128xf32> to vector<8x128xf32>
      %add3A_424 = vector.broadcast %slice3A_126 : vector<8x1xf32> to vector<8x128xf32>
      %add3A_425 = arith.addf %add3A_423, %add3A_424 : vector<8x128xf32>
      %sub3A_426 = arith.subf %add3A_425, %mul3A_422 : vector<8x128xf32>
      %add3A_427 = arith.constant 9.99999971E-10 : f32
      %add3A_428 = vector.broadcast %add3A_427 : f32 to vector<8x128xf32>
      %add3A_429 = arith.addf %sub3A_426, %add3A_428 : vector<8x128xf32>
      %div3A_430 = arith.divf %mul3A_422, %add3A_429 : vector<8x128xf32>
      %gt3A_431 = arith.constant 5.000000e-01 : f32
      %gt3A_432 = vector.broadcast %gt3A_431 : f32 to vector<8x128xf32>
      %gt3A_433 = arith.cmpf ogt, %div3A_430, %gt3A_432 : vector<8x128xf32>
      %and3A_434 = vector.broadcast %slice3A_401 : vector<1x128xi1> to vector<8x128xi1>
      %and3A_435 = arith.andi %gt3A_433, %and3A_434 : vector<8x128xi1>
      %jit3A_436 = arith.constant 0 : i32
      %broadcast_in_dim3A_437 = vector.broadcast %jit3A_436 : i32 to vector<8x128xi32>
      %select_n3A_438 = arith.select %and3A_435, %shift_left3A_88, %broadcast_in_dim3A_437 : vector<8x128xi1>, vector<8x128xi32>
      %or3A_439 = arith.ori %or3A_395, %select_n3A_438 : vector<8x128xi32>
      %slice3A_440 = vector.extract_strided_slice %while3A_115 {offsets = [5, 0], sizes = [1, 128], strides = [1, 1]} : vector<8x128xf32> to vector<1x128xf32>
      %slice3A_441 = vector.extract_strided_slice %while3A_116 {offsets = [5, 0], sizes = [1, 128], strides = [1, 1]} : vector<8x128xf32> to vector<1x128xf32>
      %slice3A_442 = vector.extract_strided_slice %while3A_117 {offsets = [5, 0], sizes = [1, 128], strides = [1, 1]} : vector<8x128xf32> to vector<1x128xf32>
      %slice3A_443 = vector.extract_strided_slice %while3A_118 {offsets = [5, 0], sizes = [1, 128], strides = [1, 1]} : vector<8x128xf32> to vector<1x128xf32>
      %slice3A_444 = vector.extract_strided_slice %while3A_120 {offsets = [5, 0], sizes = [1, 128], strides = [1, 1]} : vector<8x128xf32> to vector<1x128xf32>
      %slice3A_445 = vector.extract_strided_slice %gt3A_223 {offsets = [5, 0], sizes = [1, 128], strides = [1, 1]} : vector<8x128xi1> to vector<1x128xi1>
      %max3A_446 = vector.broadcast %slice3A_440 : vector<1x128xf32> to vector<8x128xf32>
      %max3A_447 = vector.broadcast %slice3A : vector<8x1xf32> to vector<8x128xf32>
      %max3A_448 = arith.maximumf %max3A_446, %max3A_447 : vector<8x128xf32>
      %max3A_449 = vector.broadcast %slice3A_441 : vector<1x128xf32> to vector<8x128xf32>
      %max3A_450 = vector.broadcast %slice3A_123 : vector<8x1xf32> to vector<8x128xf32>
      %max3A_451 = arith.maximumf %max3A_449, %max3A_450 : vector<8x128xf32>
      %min3A_452 = vector.broadcast %slice3A_442 : vector<1x128xf32> to vector<8x128xf32>
      %min3A_453 = vector.broadcast %slice3A_124 : vector<8x1xf32> to vector<8x128xf32>
      %min3A_454 = arith.minimumf %min3A_452, %min3A_453 : vector<8x128xf32>
      %min3A_455 = vector.broadcast %slice3A_443 : vector<1x128xf32> to vector<8x128xf32>
      %min3A_456 = vector.broadcast %slice3A_125 : vector<8x1xf32> to vector<8x128xf32>
      %min3A_457 = arith.minimumf %min3A_455, %min3A_456 : vector<8x128xf32>
      %sub3A_458 = arith.subf %min3A_454, %max3A_448 : vector<8x128xf32>
      %max3A_459 = arith.constant 0.000000e+00 : f32
      %max3A_460 = vector.broadcast %max3A_459 : f32 to vector<8x128xf32>
      %max3A_461 = arith.maximumf %sub3A_458, %max3A_460 : vector<8x128xf32>
      %sub3A_462 = arith.subf %min3A_457, %max3A_451 : vector<8x128xf32>
      %max3A_463 = arith.constant 0.000000e+00 : f32
      %max3A_464 = vector.broadcast %max3A_463 : f32 to vector<8x128xf32>
      %max3A_465 = arith.maximumf %sub3A_462, %max3A_464 : vector<8x128xf32>
      %mul3A_466 = arith.mulf %max3A_461, %max3A_465 : vector<8x128xf32>
      %add3A_467 = vector.broadcast %slice3A_444 : vector<1x128xf32> to vector<8x128xf32>
      %add3A_468 = vector.broadcast %slice3A_126 : vector<8x1xf32> to vector<8x128xf32>
      %add3A_469 = arith.addf %add3A_467, %add3A_468 : vector<8x128xf32>
      %sub3A_470 = arith.subf %add3A_469, %mul3A_466 : vector<8x128xf32>
      %add3A_471 = arith.constant 9.99999971E-10 : f32
      %add3A_472 = vector.broadcast %add3A_471 : f32 to vector<8x128xf32>
      %add3A_473 = arith.addf %sub3A_470, %add3A_472 : vector<8x128xf32>
      %div3A_474 = arith.divf %mul3A_466, %add3A_473 : vector<8x128xf32>
      %gt3A_475 = arith.constant 5.000000e-01 : f32
      %gt3A_476 = vector.broadcast %gt3A_475 : f32 to vector<8x128xf32>
      %gt3A_477 = arith.cmpf ogt, %div3A_474, %gt3A_476 : vector<8x128xf32>
      %and3A_478 = vector.broadcast %slice3A_445 : vector<1x128xi1> to vector<8x128xi1>
      %and3A_479 = arith.andi %gt3A_477, %and3A_478 : vector<8x128xi1>
      %jit3A_480 = arith.constant 0 : i32
      %broadcast_in_dim3A_481 = vector.broadcast %jit3A_480 : i32 to vector<8x128xi32>
      %select_n3A_482 = arith.select %and3A_479, %shift_left3A_88, %broadcast_in_dim3A_481 : vector<8x128xi1>, vector<8x128xi32>
      %or3A_483 = arith.ori %or3A_439, %select_n3A_482 : vector<8x128xi32>
      %slice3A_484 = vector.extract_strided_slice %while3A_115 {offsets = [6, 0], sizes = [1, 128], strides = [1, 1]} : vector<8x128xf32> to vector<1x128xf32>
      %slice3A_485 = vector.extract_strided_slice %while3A_116 {offsets = [6, 0], sizes = [1, 128], strides = [1, 1]} : vector<8x128xf32> to vector<1x128xf32>
      %slice3A_486 = vector.extract_strided_slice %while3A_117 {offsets = [6, 0], sizes = [1, 128], strides = [1, 1]} : vector<8x128xf32> to vector<1x128xf32>
      %slice3A_487 = vector.extract_strided_slice %while3A_118 {offsets = [6, 0], sizes = [1, 128], strides = [1, 1]} : vector<8x128xf32> to vector<1x128xf32>
      %slice3A_488 = vector.extract_strided_slice %while3A_120 {offsets = [6, 0], sizes = [1, 128], strides = [1, 1]} : vector<8x128xf32> to vector<1x128xf32>
      %slice3A_489 = vector.extract_strided_slice %gt3A_223 {offsets = [6, 0], sizes = [1, 128], strides = [1, 1]} : vector<8x128xi1> to vector<1x128xi1>
      %max3A_490 = vector.broadcast %slice3A_484 : vector<1x128xf32> to vector<8x128xf32>
      %max3A_491 = vector.broadcast %slice3A : vector<8x1xf32> to vector<8x128xf32>
      %max3A_492 = arith.maximumf %max3A_490, %max3A_491 : vector<8x128xf32>
      %max3A_493 = vector.broadcast %slice3A_485 : vector<1x128xf32> to vector<8x128xf32>
      %max3A_494 = vector.broadcast %slice3A_123 : vector<8x1xf32> to vector<8x128xf32>
      %max3A_495 = arith.maximumf %max3A_493, %max3A_494 : vector<8x128xf32>
      %min3A_496 = vector.broadcast %slice3A_486 : vector<1x128xf32> to vector<8x128xf32>
      %min3A_497 = vector.broadcast %slice3A_124 : vector<8x1xf32> to vector<8x128xf32>
      %min3A_498 = arith.minimumf %min3A_496, %min3A_497 : vector<8x128xf32>
      %min3A_499 = vector.broadcast %slice3A_487 : vector<1x128xf32> to vector<8x128xf32>
      %min3A_500 = vector.broadcast %slice3A_125 : vector<8x1xf32> to vector<8x128xf32>
      %min3A_501 = arith.minimumf %min3A_499, %min3A_500 : vector<8x128xf32>
      %sub3A_502 = arith.subf %min3A_498, %max3A_492 : vector<8x128xf32>
      %max3A_503 = arith.constant 0.000000e+00 : f32
      %max3A_504 = vector.broadcast %max3A_503 : f32 to vector<8x128xf32>
      %max3A_505 = arith.maximumf %sub3A_502, %max3A_504 : vector<8x128xf32>
      %sub3A_506 = arith.subf %min3A_501, %max3A_495 : vector<8x128xf32>
      %max3A_507 = arith.constant 0.000000e+00 : f32
      %max3A_508 = vector.broadcast %max3A_507 : f32 to vector<8x128xf32>
      %max3A_509 = arith.maximumf %sub3A_506, %max3A_508 : vector<8x128xf32>
      %mul3A_510 = arith.mulf %max3A_505, %max3A_509 : vector<8x128xf32>
      %add3A_511 = vector.broadcast %slice3A_488 : vector<1x128xf32> to vector<8x128xf32>
      %add3A_512 = vector.broadcast %slice3A_126 : vector<8x1xf32> to vector<8x128xf32>
      %add3A_513 = arith.addf %add3A_511, %add3A_512 : vector<8x128xf32>
      %sub3A_514 = arith.subf %add3A_513, %mul3A_510 : vector<8x128xf32>
      %add3A_515 = arith.constant 9.99999971E-10 : f32
      %add3A_516 = vector.broadcast %add3A_515 : f32 to vector<8x128xf32>
      %add3A_517 = arith.addf %sub3A_514, %add3A_516 : vector<8x128xf32>
      %div3A_518 = arith.divf %mul3A_510, %add3A_517 : vector<8x128xf32>
      %gt3A_519 = arith.constant 5.000000e-01 : f32
      %gt3A_520 = vector.broadcast %gt3A_519 : f32 to vector<8x128xf32>
      %gt3A_521 = arith.cmpf ogt, %div3A_518, %gt3A_520 : vector<8x128xf32>
      %and3A_522 = vector.broadcast %slice3A_489 : vector<1x128xi1> to vector<8x128xi1>
      %and3A_523 = arith.andi %gt3A_521, %and3A_522 : vector<8x128xi1>
      %jit3A_524 = arith.constant 0 : i32
      %broadcast_in_dim3A_525 = vector.broadcast %jit3A_524 : i32 to vector<8x128xi32>
      %select_n3A_526 = arith.select %and3A_523, %shift_left3A_88, %broadcast_in_dim3A_525 : vector<8x128xi1>, vector<8x128xi32>
      %or3A_527 = arith.ori %or3A_483, %select_n3A_526 : vector<8x128xi32>
      %slice3A_528 = vector.extract_strided_slice %while3A_115 {offsets = [7, 0], sizes = [1, 128], strides = [1, 1]} : vector<8x128xf32> to vector<1x128xf32>
      %slice3A_529 = vector.extract_strided_slice %while3A_116 {offsets = [7, 0], sizes = [1, 128], strides = [1, 1]} : vector<8x128xf32> to vector<1x128xf32>
      %slice3A_530 = vector.extract_strided_slice %while3A_117 {offsets = [7, 0], sizes = [1, 128], strides = [1, 1]} : vector<8x128xf32> to vector<1x128xf32>
      %slice3A_531 = vector.extract_strided_slice %while3A_118 {offsets = [7, 0], sizes = [1, 128], strides = [1, 1]} : vector<8x128xf32> to vector<1x128xf32>
      %slice3A_532 = vector.extract_strided_slice %while3A_120 {offsets = [7, 0], sizes = [1, 128], strides = [1, 1]} : vector<8x128xf32> to vector<1x128xf32>
      %slice3A_533 = vector.extract_strided_slice %gt3A_223 {offsets = [7, 0], sizes = [1, 128], strides = [1, 1]} : vector<8x128xi1> to vector<1x128xi1>
      %max3A_534 = vector.broadcast %slice3A_528 : vector<1x128xf32> to vector<8x128xf32>
      %max3A_535 = vector.broadcast %slice3A : vector<8x1xf32> to vector<8x128xf32>
      %max3A_536 = arith.maximumf %max3A_534, %max3A_535 : vector<8x128xf32>
      %max3A_537 = vector.broadcast %slice3A_529 : vector<1x128xf32> to vector<8x128xf32>
      %max3A_538 = vector.broadcast %slice3A_123 : vector<8x1xf32> to vector<8x128xf32>
      %max3A_539 = arith.maximumf %max3A_537, %max3A_538 : vector<8x128xf32>
      %min3A_540 = vector.broadcast %slice3A_530 : vector<1x128xf32> to vector<8x128xf32>
      %min3A_541 = vector.broadcast %slice3A_124 : vector<8x1xf32> to vector<8x128xf32>
      %min3A_542 = arith.minimumf %min3A_540, %min3A_541 : vector<8x128xf32>
      %min3A_543 = vector.broadcast %slice3A_531 : vector<1x128xf32> to vector<8x128xf32>
      %min3A_544 = vector.broadcast %slice3A_125 : vector<8x1xf32> to vector<8x128xf32>
      %min3A_545 = arith.minimumf %min3A_543, %min3A_544 : vector<8x128xf32>
      %sub3A_546 = arith.subf %min3A_542, %max3A_536 : vector<8x128xf32>
      %max3A_547 = arith.constant 0.000000e+00 : f32
      %max3A_548 = vector.broadcast %max3A_547 : f32 to vector<8x128xf32>
      %max3A_549 = arith.maximumf %sub3A_546, %max3A_548 : vector<8x128xf32>
      %sub3A_550 = arith.subf %min3A_545, %max3A_539 : vector<8x128xf32>
      %max3A_551 = arith.constant 0.000000e+00 : f32
      %max3A_552 = vector.broadcast %max3A_551 : f32 to vector<8x128xf32>
      %max3A_553 = arith.maximumf %sub3A_550, %max3A_552 : vector<8x128xf32>
      %mul3A_554 = arith.mulf %max3A_549, %max3A_553 : vector<8x128xf32>
      %add3A_555 = vector.broadcast %slice3A_532 : vector<1x128xf32> to vector<8x128xf32>
      %add3A_556 = vector.broadcast %slice3A_126 : vector<8x1xf32> to vector<8x128xf32>
      %add3A_557 = arith.addf %add3A_555, %add3A_556 : vector<8x128xf32>
      %sub3A_558 = arith.subf %add3A_557, %mul3A_554 : vector<8x128xf32>
      %add3A_559 = arith.constant 9.99999971E-10 : f32
      %add3A_560 = vector.broadcast %add3A_559 : f32 to vector<8x128xf32>
      %add3A_561 = arith.addf %sub3A_558, %add3A_560 : vector<8x128xf32>
      %div3A_562 = arith.divf %mul3A_554, %add3A_561 : vector<8x128xf32>
      %gt3A_563 = arith.constant 5.000000e-01 : f32
      %gt3A_564 = vector.broadcast %gt3A_563 : f32 to vector<8x128xf32>
      %gt3A_565 = arith.cmpf ogt, %div3A_562, %gt3A_564 : vector<8x128xf32>
      %and3A_566 = vector.broadcast %slice3A_533 : vector<1x128xi1> to vector<8x128xi1>
      %and3A_567 = arith.andi %gt3A_565, %and3A_566 : vector<8x128xi1>
      %jit3A_568 = arith.constant 0 : i32
      %broadcast_in_dim3A_569 = vector.broadcast %jit3A_568 : i32 to vector<8x128xi32>
      %select_n3A_570 = arith.select %and3A_567, %shift_left3A_88, %broadcast_in_dim3A_569 : vector<8x128xi1>, vector<8x128xi32>
      %or3A_571 = arith.ori %or3A_527, %select_n3A_570 : vector<8x128xi32>
      %reduce_max3A = arith.constant dense<-2147483648> : vector<8xi32>
      %reduce_max3A_572 = vector.multi_reduction <maxsi>, %or3A_571, %reduce_max3A [1] : vector<8x128xi32> to vector<8xi32>
      %broadcast_in_dim3A_573 = vector.shape_cast %reduce_max3A_572 : vector<8xi32> to vector<8x1xi32>
      %slice3A_574 = vector.extract_strided_slice %broadcast_in_dim3A_573 {offsets = [4, 0], sizes = [4, 1], strides = [1, 1]} : vector<8x1xi32> to vector<4x1xi32>
      %slice3A_575 = vector.extract_strided_slice %broadcast_in_dim3A_573 {offsets = [0, 0], sizes = [4, 1], strides = [1, 1]} : vector<8x1xi32> to vector<4x1xi32>
      %concatenate3A = tpu.concatenate %slice3A_574, %slice3A_575 in 0 : vector<4x1xi32>, vector<4x1xi32> -> vector<8x1xi32>
      %or3A_576 = arith.ori %broadcast_in_dim3A_573, %concatenate3A : vector<8x1xi32>
      %slice3A_577 = vector.extract_strided_slice %or3A_576 {offsets = [2, 0], sizes = [6, 1], strides = [1, 1]} : vector<8x1xi32> to vector<6x1xi32>
      %slice3A_578 = vector.extract_strided_slice %or3A_576 {offsets = [0, 0], sizes = [2, 1], strides = [1, 1]} : vector<8x1xi32> to vector<2x1xi32>
      %concatenate3A_579 = tpu.concatenate %slice3A_577, %slice3A_578 in 0 : vector<6x1xi32>, vector<2x1xi32> -> vector<8x1xi32>
      %or3A_580 = arith.ori %or3A_576, %concatenate3A_579 : vector<8x1xi32>
      %slice3A_581 = vector.extract_strided_slice %or3A_580 {offsets = [1, 0], sizes = [7, 1], strides = [1, 1]} : vector<8x1xi32> to vector<7x1xi32>
      %slice3A_582 = vector.extract_strided_slice %or3A_580 {offsets = [0, 0], sizes = [1, 1], strides = [1, 1]} : vector<8x1xi32> to vector<1x1xi32>
      %concatenate3A_583 = tpu.concatenate %slice3A_581, %slice3A_582 in 0 : vector<7x1xi32>, vector<1x1xi32> -> vector<8x1xi32>
      %or3A_584 = arith.ori %or3A_580, %concatenate3A_583 : vector<8x1xi32>
      %slice3A_585 = vector.extract_strided_slice %or3A_584 {offsets = [0, 0], sizes = [1, 1], strides = [1, 1]} : vector<8x1xi32> to vector<1x1xi32>
      %squeeze3A_586 = vector.extract %slice3A_585[0, 0] : i32 from vector<1x1xi32>
      %broadcast_in_dim3A_587 = arith.constant 0 : i32
      %broadcast_in_dim3A_588 = vector.broadcast %broadcast_in_dim3A_587 : i32 to vector<8x1xi32>
      %max3A_589 = vector.broadcast %squeeze3A_161 : f32 to vector<8x1xf32>
      %max3A_590 = arith.maximumf %slice3A, %max3A_589 : vector<8x1xf32>
      %max3A_591 = vector.broadcast %squeeze3A_177 : f32 to vector<8x1xf32>
      %max3A_592 = arith.maximumf %slice3A_123, %max3A_591 : vector<8x1xf32>
      %min3A_593 = vector.broadcast %squeeze3A_193 : f32 to vector<8x1xf32>
      %min3A_594 = arith.minimumf %slice3A_124, %min3A_593 : vector<8x1xf32>
      %min3A_595 = vector.broadcast %squeeze3A_209 : f32 to vector<8x1xf32>
      %min3A_596 = arith.minimumf %slice3A_125, %min3A_595 : vector<8x1xf32>
      %sub3A_597 = arith.subf %min3A_594, %max3A_590 : vector<8x1xf32>
      %max3A_598 = arith.constant 0.000000e+00 : f32
      %max3A_599 = vector.broadcast %max3A_598 : f32 to vector<8x1xf32>
      %max3A_600 = arith.maximumf %sub3A_597, %max3A_599 : vector<8x1xf32>
      %sub3A_601 = arith.subf %min3A_596, %max3A_592 : vector<8x1xf32>
      %max3A_602 = arith.constant 0.000000e+00 : f32
      %max3A_603 = vector.broadcast %max3A_602 : f32 to vector<8x1xf32>
      %max3A_604 = arith.maximumf %sub3A_601, %max3A_603 : vector<8x1xf32>
      %mul3A_605 = arith.mulf %max3A_600, %max3A_604 : vector<8x1xf32>
      %add3A_606 = vector.broadcast %squeeze3A_145 : f32 to vector<8x1xf32>
      %add3A_607 = arith.addf %slice3A_126, %add3A_606 : vector<8x1xf32>
      %sub3A_608 = arith.subf %add3A_607, %mul3A_605 : vector<8x1xf32>
      %add3A_609 = arith.constant 9.99999971E-10 : f32
      %add3A_610 = vector.broadcast %add3A_609 : f32 to vector<8x1xf32>
      %add3A_611 = arith.addf %sub3A_608, %add3A_610 : vector<8x1xf32>
      %div3A_612 = arith.divf %mul3A_605, %add3A_611 : vector<8x1xf32>
      %gt3A_613 = arith.constant 5.000000e-01 : f32
      %gt3A_614 = vector.broadcast %gt3A_613 : f32 to vector<8x1xf32>
      %gt3A_615 = arith.cmpf ogt, %div3A_612, %gt3A_614 : vector<8x1xf32>
      %jit3A_616 = arith.constant 0 : i32
      %broadcast_in_dim3A_617 = vector.broadcast %jit3A_616 : i32 to vector<8x1xi32>
      %select_n3A_618 = arith.select %gt3A_615, %select_n3A, %broadcast_in_dim3A_617 : vector<8x1xi1>, vector<8x1xi32>
      %or3A_619 = arith.ori %broadcast_in_dim3A_588, %select_n3A_618 : vector<8x1xi32>
      %max3A_620 = vector.broadcast %squeeze3A_163 : f32 to vector<8x1xf32>
      %max3A_621 = arith.maximumf %slice3A, %max3A_620 : vector<8x1xf32>
      %max3A_622 = vector.broadcast %squeeze3A_179 : f32 to vector<8x1xf32>
      %max3A_623 = arith.maximumf %slice3A_123, %max3A_622 : vector<8x1xf32>
      %min3A_624 = vector.broadcast %squeeze3A_195 : f32 to vector<8x1xf32>
      %min3A_625 = arith.minimumf %slice3A_124, %min3A_624 : vector<8x1xf32>
      %min3A_626 = vector.broadcast %squeeze3A_211 : f32 to vector<8x1xf32>
      %min3A_627 = arith.minimumf %slice3A_125, %min3A_626 : vector<8x1xf32>
      %sub3A_628 = arith.subf %min3A_625, %max3A_621 : vector<8x1xf32>
      %max3A_629 = arith.constant 0.000000e+00 : f32
      %max3A_630 = vector.broadcast %max3A_629 : f32 to vector<8x1xf32>
      %max3A_631 = arith.maximumf %sub3A_628, %max3A_630 : vector<8x1xf32>
      %sub3A_632 = arith.subf %min3A_627, %max3A_623 : vector<8x1xf32>
      %max3A_633 = arith.constant 0.000000e+00 : f32
      %max3A_634 = vector.broadcast %max3A_633 : f32 to vector<8x1xf32>
      %max3A_635 = arith.maximumf %sub3A_632, %max3A_634 : vector<8x1xf32>
      %mul3A_636 = arith.mulf %max3A_631, %max3A_635 : vector<8x1xf32>
      %add3A_637 = vector.broadcast %squeeze3A_147 : f32 to vector<8x1xf32>
      %add3A_638 = arith.addf %slice3A_126, %add3A_637 : vector<8x1xf32>
      %sub3A_639 = arith.subf %add3A_638, %mul3A_636 : vector<8x1xf32>
      %add3A_640 = arith.constant 9.99999971E-10 : f32
      %add3A_641 = vector.broadcast %add3A_640 : f32 to vector<8x1xf32>
      %add3A_642 = arith.addf %sub3A_639, %add3A_641 : vector<8x1xf32>
      %div3A_643 = arith.divf %mul3A_636, %add3A_642 : vector<8x1xf32>
      %gt3A_644 = arith.constant 5.000000e-01 : f32
      %gt3A_645 = vector.broadcast %gt3A_644 : f32 to vector<8x1xf32>
      %gt3A_646 = arith.cmpf ogt, %div3A_643, %gt3A_645 : vector<8x1xf32>
      %jit3A_647 = arith.constant 0 : i32
      %broadcast_in_dim3A_648 = vector.broadcast %jit3A_647 : i32 to vector<8x1xi32>
      %select_n3A_649 = arith.select %gt3A_646, %select_n3A_24, %broadcast_in_dim3A_648 : vector<8x1xi1>, vector<8x1xi32>
      %or3A_650 = arith.ori %or3A_619, %select_n3A_649 : vector<8x1xi32>
      %max3A_651 = vector.broadcast %squeeze3A_165 : f32 to vector<8x1xf32>
      %max3A_652 = arith.maximumf %slice3A, %max3A_651 : vector<8x1xf32>
      %max3A_653 = vector.broadcast %squeeze3A_181 : f32 to vector<8x1xf32>
      %max3A_654 = arith.maximumf %slice3A_123, %max3A_653 : vector<8x1xf32>
      %min3A_655 = vector.broadcast %squeeze3A_197 : f32 to vector<8x1xf32>
      %min3A_656 = arith.minimumf %slice3A_124, %min3A_655 : vector<8x1xf32>
      %min3A_657 = vector.broadcast %squeeze3A_213 : f32 to vector<8x1xf32>
      %min3A_658 = arith.minimumf %slice3A_125, %min3A_657 : vector<8x1xf32>
      %sub3A_659 = arith.subf %min3A_656, %max3A_652 : vector<8x1xf32>
      %max3A_660 = arith.constant 0.000000e+00 : f32
      %max3A_661 = vector.broadcast %max3A_660 : f32 to vector<8x1xf32>
      %max3A_662 = arith.maximumf %sub3A_659, %max3A_661 : vector<8x1xf32>
      %sub3A_663 = arith.subf %min3A_658, %max3A_654 : vector<8x1xf32>
      %max3A_664 = arith.constant 0.000000e+00 : f32
      %max3A_665 = vector.broadcast %max3A_664 : f32 to vector<8x1xf32>
      %max3A_666 = arith.maximumf %sub3A_663, %max3A_665 : vector<8x1xf32>
      %mul3A_667 = arith.mulf %max3A_662, %max3A_666 : vector<8x1xf32>
      %add3A_668 = vector.broadcast %squeeze3A_149 : f32 to vector<8x1xf32>
      %add3A_669 = arith.addf %slice3A_126, %add3A_668 : vector<8x1xf32>
      %sub3A_670 = arith.subf %add3A_669, %mul3A_667 : vector<8x1xf32>
      %add3A_671 = arith.constant 9.99999971E-10 : f32
      %add3A_672 = vector.broadcast %add3A_671 : f32 to vector<8x1xf32>
      %add3A_673 = arith.addf %sub3A_670, %add3A_672 : vector<8x1xf32>
      %div3A_674 = arith.divf %mul3A_667, %add3A_673 : vector<8x1xf32>
      %gt3A_675 = arith.constant 5.000000e-01 : f32
      %gt3A_676 = vector.broadcast %gt3A_675 : f32 to vector<8x1xf32>
      %gt3A_677 = arith.cmpf ogt, %div3A_674, %gt3A_676 : vector<8x1xf32>
      %jit3A_678 = arith.constant 0 : i32
      %broadcast_in_dim3A_679 = vector.broadcast %jit3A_678 : i32 to vector<8x1xi32>
      %select_n3A_680 = arith.select %gt3A_677, %select_n3A_36, %broadcast_in_dim3A_679 : vector<8x1xi1>, vector<8x1xi32>
      %or3A_681 = arith.ori %or3A_650, %select_n3A_680 : vector<8x1xi32>
      %max3A_682 = vector.broadcast %squeeze3A_167 : f32 to vector<8x1xf32>
      %max3A_683 = arith.maximumf %slice3A, %max3A_682 : vector<8x1xf32>
      %max3A_684 = vector.broadcast %squeeze3A_183 : f32 to vector<8x1xf32>
      %max3A_685 = arith.maximumf %slice3A_123, %max3A_684 : vector<8x1xf32>
      %min3A_686 = vector.broadcast %squeeze3A_199 : f32 to vector<8x1xf32>
      %min3A_687 = arith.minimumf %slice3A_124, %min3A_686 : vector<8x1xf32>
      %min3A_688 = vector.broadcast %squeeze3A_215 : f32 to vector<8x1xf32>
      %min3A_689 = arith.minimumf %slice3A_125, %min3A_688 : vector<8x1xf32>
      %sub3A_690 = arith.subf %min3A_687, %max3A_683 : vector<8x1xf32>
      %max3A_691 = arith.constant 0.000000e+00 : f32
      %max3A_692 = vector.broadcast %max3A_691 : f32 to vector<8x1xf32>
      %max3A_693 = arith.maximumf %sub3A_690, %max3A_692 : vector<8x1xf32>
      %sub3A_694 = arith.subf %min3A_689, %max3A_685 : vector<8x1xf32>
      %max3A_695 = arith.constant 0.000000e+00 : f32
      %max3A_696 = vector.broadcast %max3A_695 : f32 to vector<8x1xf32>
      %max3A_697 = arith.maximumf %sub3A_694, %max3A_696 : vector<8x1xf32>
      %mul3A_698 = arith.mulf %max3A_693, %max3A_697 : vector<8x1xf32>
      %add3A_699 = vector.broadcast %squeeze3A_151 : f32 to vector<8x1xf32>
      %add3A_700 = arith.addf %slice3A_126, %add3A_699 : vector<8x1xf32>
      %sub3A_701 = arith.subf %add3A_700, %mul3A_698 : vector<8x1xf32>
      %add3A_702 = arith.constant 9.99999971E-10 : f32
      %add3A_703 = vector.broadcast %add3A_702 : f32 to vector<8x1xf32>
      %add3A_704 = arith.addf %sub3A_701, %add3A_703 : vector<8x1xf32>
      %div3A_705 = arith.divf %mul3A_698, %add3A_704 : vector<8x1xf32>
      %gt3A_706 = arith.constant 5.000000e-01 : f32
      %gt3A_707 = vector.broadcast %gt3A_706 : f32 to vector<8x1xf32>
      %gt3A_708 = arith.cmpf ogt, %div3A_705, %gt3A_707 : vector<8x1xf32>
      %jit3A_709 = arith.constant 0 : i32
      %broadcast_in_dim3A_710 = vector.broadcast %jit3A_709 : i32 to vector<8x1xi32>
      %select_n3A_711 = arith.select %gt3A_708, %select_n3A_48, %broadcast_in_dim3A_710 : vector<8x1xi1>, vector<8x1xi32>
      %or3A_712 = arith.ori %or3A_681, %select_n3A_711 : vector<8x1xi32>
      %max3A_713 = vector.broadcast %squeeze3A_169 : f32 to vector<8x1xf32>
      %max3A_714 = arith.maximumf %slice3A, %max3A_713 : vector<8x1xf32>
      %max3A_715 = vector.broadcast %squeeze3A_185 : f32 to vector<8x1xf32>
      %max3A_716 = arith.maximumf %slice3A_123, %max3A_715 : vector<8x1xf32>
      %min3A_717 = vector.broadcast %squeeze3A_201 : f32 to vector<8x1xf32>
      %min3A_718 = arith.minimumf %slice3A_124, %min3A_717 : vector<8x1xf32>
      %min3A_719 = vector.broadcast %squeeze3A_217 : f32 to vector<8x1xf32>
      %min3A_720 = arith.minimumf %slice3A_125, %min3A_719 : vector<8x1xf32>
      %sub3A_721 = arith.subf %min3A_718, %max3A_714 : vector<8x1xf32>
      %max3A_722 = arith.constant 0.000000e+00 : f32
      %max3A_723 = vector.broadcast %max3A_722 : f32 to vector<8x1xf32>
      %max3A_724 = arith.maximumf %sub3A_721, %max3A_723 : vector<8x1xf32>
      %sub3A_725 = arith.subf %min3A_720, %max3A_716 : vector<8x1xf32>
      %max3A_726 = arith.constant 0.000000e+00 : f32
      %max3A_727 = vector.broadcast %max3A_726 : f32 to vector<8x1xf32>
      %max3A_728 = arith.maximumf %sub3A_725, %max3A_727 : vector<8x1xf32>
      %mul3A_729 = arith.mulf %max3A_724, %max3A_728 : vector<8x1xf32>
      %add3A_730 = vector.broadcast %squeeze3A_153 : f32 to vector<8x1xf32>
      %add3A_731 = arith.addf %slice3A_126, %add3A_730 : vector<8x1xf32>
      %sub3A_732 = arith.subf %add3A_731, %mul3A_729 : vector<8x1xf32>
      %add3A_733 = arith.constant 9.99999971E-10 : f32
      %add3A_734 = vector.broadcast %add3A_733 : f32 to vector<8x1xf32>
      %add3A_735 = arith.addf %sub3A_732, %add3A_734 : vector<8x1xf32>
      %div3A_736 = arith.divf %mul3A_729, %add3A_735 : vector<8x1xf32>
      %gt3A_737 = arith.constant 5.000000e-01 : f32
      %gt3A_738 = vector.broadcast %gt3A_737 : f32 to vector<8x1xf32>
      %gt3A_739 = arith.cmpf ogt, %div3A_736, %gt3A_738 : vector<8x1xf32>
      %jit3A_740 = arith.constant 0 : i32
      %broadcast_in_dim3A_741 = vector.broadcast %jit3A_740 : i32 to vector<8x1xi32>
      %select_n3A_742 = arith.select %gt3A_739, %select_n3A_60, %broadcast_in_dim3A_741 : vector<8x1xi1>, vector<8x1xi32>
      %or3A_743 = arith.ori %or3A_712, %select_n3A_742 : vector<8x1xi32>
      %max3A_744 = vector.broadcast %squeeze3A_171 : f32 to vector<8x1xf32>
      %max3A_745 = arith.maximumf %slice3A, %max3A_744 : vector<8x1xf32>
      %max3A_746 = vector.broadcast %squeeze3A_187 : f32 to vector<8x1xf32>
      %max3A_747 = arith.maximumf %slice3A_123, %max3A_746 : vector<8x1xf32>
      %min3A_748 = vector.broadcast %squeeze3A_203 : f32 to vector<8x1xf32>
      %min3A_749 = arith.minimumf %slice3A_124, %min3A_748 : vector<8x1xf32>
      %min3A_750 = vector.broadcast %squeeze3A_219 : f32 to vector<8x1xf32>
      %min3A_751 = arith.minimumf %slice3A_125, %min3A_750 : vector<8x1xf32>
      %sub3A_752 = arith.subf %min3A_749, %max3A_745 : vector<8x1xf32>
      %max3A_753 = arith.constant 0.000000e+00 : f32
      %max3A_754 = vector.broadcast %max3A_753 : f32 to vector<8x1xf32>
      %max3A_755 = arith.maximumf %sub3A_752, %max3A_754 : vector<8x1xf32>
      %sub3A_756 = arith.subf %min3A_751, %max3A_747 : vector<8x1xf32>
      %max3A_757 = arith.constant 0.000000e+00 : f32
      %max3A_758 = vector.broadcast %max3A_757 : f32 to vector<8x1xf32>
      %max3A_759 = arith.maximumf %sub3A_756, %max3A_758 : vector<8x1xf32>
      %mul3A_760 = arith.mulf %max3A_755, %max3A_759 : vector<8x1xf32>
      %add3A_761 = vector.broadcast %squeeze3A_155 : f32 to vector<8x1xf32>
      %add3A_762 = arith.addf %slice3A_126, %add3A_761 : vector<8x1xf32>
      %sub3A_763 = arith.subf %add3A_762, %mul3A_760 : vector<8x1xf32>
      %add3A_764 = arith.constant 9.99999971E-10 : f32
      %add3A_765 = vector.broadcast %add3A_764 : f32 to vector<8x1xf32>
      %add3A_766 = arith.addf %sub3A_763, %add3A_765 : vector<8x1xf32>
      %div3A_767 = arith.divf %mul3A_760, %add3A_766 : vector<8x1xf32>
      %gt3A_768 = arith.constant 5.000000e-01 : f32
      %gt3A_769 = vector.broadcast %gt3A_768 : f32 to vector<8x1xf32>
      %gt3A_770 = arith.cmpf ogt, %div3A_767, %gt3A_769 : vector<8x1xf32>
      %jit3A_771 = arith.constant 0 : i32
      %broadcast_in_dim3A_772 = vector.broadcast %jit3A_771 : i32 to vector<8x1xi32>
      %select_n3A_773 = arith.select %gt3A_770, %select_n3A_72, %broadcast_in_dim3A_772 : vector<8x1xi1>, vector<8x1xi32>
      %or3A_774 = arith.ori %or3A_743, %select_n3A_773 : vector<8x1xi32>
      %max3A_775 = vector.broadcast %squeeze3A_173 : f32 to vector<8x1xf32>
      %max3A_776 = arith.maximumf %slice3A, %max3A_775 : vector<8x1xf32>
      %max3A_777 = vector.broadcast %squeeze3A_189 : f32 to vector<8x1xf32>
      %max3A_778 = arith.maximumf %slice3A_123, %max3A_777 : vector<8x1xf32>
      %min3A_779 = vector.broadcast %squeeze3A_205 : f32 to vector<8x1xf32>
      %min3A_780 = arith.minimumf %slice3A_124, %min3A_779 : vector<8x1xf32>
      %min3A_781 = vector.broadcast %squeeze3A_221 : f32 to vector<8x1xf32>
      %min3A_782 = arith.minimumf %slice3A_125, %min3A_781 : vector<8x1xf32>
      %sub3A_783 = arith.subf %min3A_780, %max3A_776 : vector<8x1xf32>
      %max3A_784 = arith.constant 0.000000e+00 : f32
      %max3A_785 = vector.broadcast %max3A_784 : f32 to vector<8x1xf32>
      %max3A_786 = arith.maximumf %sub3A_783, %max3A_785 : vector<8x1xf32>
      %sub3A_787 = arith.subf %min3A_782, %max3A_778 : vector<8x1xf32>
      %max3A_788 = arith.constant 0.000000e+00 : f32
      %max3A_789 = vector.broadcast %max3A_788 : f32 to vector<8x1xf32>
      %max3A_790 = arith.maximumf %sub3A_787, %max3A_789 : vector<8x1xf32>
      %mul3A_791 = arith.mulf %max3A_786, %max3A_790 : vector<8x1xf32>
      %add3A_792 = vector.broadcast %squeeze3A_157 : f32 to vector<8x1xf32>
      %add3A_793 = arith.addf %slice3A_126, %add3A_792 : vector<8x1xf32>
      %sub3A_794 = arith.subf %add3A_793, %mul3A_791 : vector<8x1xf32>
      %add3A_795 = arith.constant 9.99999971E-10 : f32
      %add3A_796 = vector.broadcast %add3A_795 : f32 to vector<8x1xf32>
      %add3A_797 = arith.addf %sub3A_794, %add3A_796 : vector<8x1xf32>
      %div3A_798 = arith.divf %mul3A_791, %add3A_797 : vector<8x1xf32>
      %gt3A_799 = arith.constant 5.000000e-01 : f32
      %gt3A_800 = vector.broadcast %gt3A_799 : f32 to vector<8x1xf32>
      %gt3A_801 = arith.cmpf ogt, %div3A_798, %gt3A_800 : vector<8x1xf32>
      %jit3A_802 = arith.constant 0 : i32
      %broadcast_in_dim3A_803 = vector.broadcast %jit3A_802 : i32 to vector<8x1xi32>
      %select_n3A_804 = arith.select %gt3A_801, %select_n3A_84, %broadcast_in_dim3A_803 : vector<8x1xi1>, vector<8x1xi32>
      %or3A_805 = arith.ori %or3A_774, %select_n3A_804 : vector<8x1xi32>
      %slice3A_806 = vector.extract_strided_slice %or3A_805 {offsets = [4, 0], sizes = [4, 1], strides = [1, 1]} : vector<8x1xi32> to vector<4x1xi32>
      %slice3A_807 = vector.extract_strided_slice %or3A_805 {offsets = [0, 0], sizes = [4, 1], strides = [1, 1]} : vector<8x1xi32> to vector<4x1xi32>
      %concatenate3A_808 = tpu.concatenate %slice3A_806, %slice3A_807 in 0 : vector<4x1xi32>, vector<4x1xi32> -> vector<8x1xi32>
      %or3A_809 = arith.ori %or3A_805, %concatenate3A_808 : vector<8x1xi32>
      %slice3A_810 = vector.extract_strided_slice %or3A_809 {offsets = [2, 0], sizes = [6, 1], strides = [1, 1]} : vector<8x1xi32> to vector<6x1xi32>
      %slice3A_811 = vector.extract_strided_slice %or3A_809 {offsets = [0, 0], sizes = [2, 1], strides = [1, 1]} : vector<8x1xi32> to vector<2x1xi32>
      %concatenate3A_812 = tpu.concatenate %slice3A_810, %slice3A_811 in 0 : vector<6x1xi32>, vector<2x1xi32> -> vector<8x1xi32>
      %or3A_813 = arith.ori %or3A_809, %concatenate3A_812 : vector<8x1xi32>
      %slice3A_814 = vector.extract_strided_slice %or3A_813 {offsets = [1, 0], sizes = [7, 1], strides = [1, 1]} : vector<8x1xi32> to vector<7x1xi32>
      %slice3A_815 = vector.extract_strided_slice %or3A_813 {offsets = [0, 0], sizes = [1, 1], strides = [1, 1]} : vector<8x1xi32> to vector<1x1xi32>
      %concatenate3A_816 = tpu.concatenate %slice3A_814, %slice3A_815 in 0 : vector<7x1xi32>, vector<1x1xi32> -> vector<8x1xi32>
      %or3A_817 = arith.ori %or3A_813, %concatenate3A_816 : vector<8x1xi32>
      %slice3A_818 = vector.extract_strided_slice %or3A_817 {offsets = [0, 0], sizes = [1, 1], strides = [1, 1]} : vector<8x1xi32> to vector<1x1xi32>
      %squeeze3A_819 = vector.extract %slice3A_818[0, 0] : i32 from vector<1x1xi32>
      %lt3A_820 = arith.constant 0.000000e+00 : f32
      %lt3A_821 = arith.cmpf olt, %squeeze3A, %lt3A_820 : f32
      %and3A_822 = arith.constant 1 : i32
      %and3A_823 = arith.andi %squeeze3A_586, %and3A_822 : i32
      %ne3A = arith.constant 0 : i32
      %ne3A_824 = arith.cmpi ne, %and3A_823, %ne3A : i32
      %or3A_825 = arith.ori %ne3A_824, %lt3A_821 : i1
      %not3A = arith.constant true
      %not3A_826 = arith.xori %or3A_825, %not3A : i1
      %jit3A_827 = arith.constant 1 : i32
      %jit3A_828 = arith.constant 0 : i32
      %select_n3A_829 = arith.select %not3A_826, %jit3A_827, %jit3A_828 : i32
      %shift_left3A_830 = arith.constant 0 : i32
      %shift_left3A_831 = arith.shli %select_n3A_829, %shift_left3A_830 : i32
      %or3A_832 = arith.constant 0 : i32
      %or3A_833 = arith.ori %or3A_832, %shift_left3A_831 : i32
      %jit3A_834 = arith.constant -1 : i32
      %select_n3A_835 = arith.select %not3A_826, %while3A_112, %jit3A_834 : i32
      %add3A_836 = arith.addi %while3A_112, %select_n3A_829 : i32
      %or3A_837 = arith.constant false
      %or3A_838 = arith.ori %or3A_837, %lt3A_821 : i1
      %lt3A_839 = arith.constant 0.000000e+00 : f32
      %lt3A_840 = arith.cmpf olt, %squeeze3A_129, %lt3A_839 : f32
      %and3A_841 = arith.constant 2 : i32
      %and3A_842 = arith.andi %squeeze3A_586, %and3A_841 : i32
      %ne3A_843 = arith.constant 0 : i32
      %ne3A_844 = arith.cmpi ne, %and3A_842, %ne3A_843 : i32
      %shift_right_arithmetic3A = arith.constant 0 : i32
      %shift_right_arithmetic3A_845 = arith.shrsi %squeeze3A_819, %shift_right_arithmetic3A : i32
      %and3A_846 = arith.constant 1 : i32
      %and3A_847 = arith.andi %shift_right_arithmetic3A_845, %and3A_846 : i32
      %and3A_848 = arith.andi %and3A_847, %or3A_833 : i32
      %ne3A_849 = arith.constant 0 : i32
      %ne3A_850 = arith.cmpi ne, %and3A_848, %ne3A_849 : i32
      %or3A_851 = arith.ori %ne3A_844, %ne3A_850 : i1
      %or3A_852 = arith.ori %or3A_851, %lt3A_840 : i1
      %not3A_853 = arith.constant true
      %not3A_854 = arith.xori %or3A_852, %not3A_853 : i1
      %jit3A_855 = arith.constant 1 : i32
      %jit3A_856 = arith.constant 0 : i32
      %select_n3A_857 = arith.select %not3A_854, %jit3A_855, %jit3A_856 : i32
      %shift_left3A_858 = arith.constant 1 : i32
      %shift_left3A_859 = arith.shli %select_n3A_857, %shift_left3A_858 : i32
      %or3A_860 = arith.ori %or3A_833, %shift_left3A_859 : i32
      %jit3A_861 = arith.constant -1 : i32
      %select_n3A_862 = arith.select %not3A_854, %add3A_836, %jit3A_861 : i32
      %add3A_863 = arith.addi %add3A_836, %select_n3A_857 : i32
      %or3A_864 = arith.ori %or3A_838, %lt3A_840 : i1
      %lt3A_865 = arith.constant 0.000000e+00 : f32
      %lt3A_866 = arith.cmpf olt, %squeeze3A_131, %lt3A_865 : f32
      %and3A_867 = arith.constant 4 : i32
      %and3A_868 = arith.andi %squeeze3A_586, %and3A_867 : i32
      %ne3A_869 = arith.constant 0 : i32
      %ne3A_870 = arith.cmpi ne, %and3A_868, %ne3A_869 : i32
      %shift_right_arithmetic3A_871 = arith.constant 1 : i32
      %shift_right_arithmetic3A_872 = arith.shrsi %squeeze3A_819, %shift_right_arithmetic3A_871 : i32
      %and3A_873 = arith.constant 3 : i32
      %and3A_874 = arith.andi %shift_right_arithmetic3A_872, %and3A_873 : i32
      %and3A_875 = arith.andi %and3A_874, %or3A_860 : i32
      %ne3A_876 = arith.constant 0 : i32
      %ne3A_877 = arith.cmpi ne, %and3A_875, %ne3A_876 : i32
      %or3A_878 = arith.ori %ne3A_870, %ne3A_877 : i1
      %or3A_879 = arith.ori %or3A_878, %lt3A_866 : i1
      %not3A_880 = arith.constant true
      %not3A_881 = arith.xori %or3A_879, %not3A_880 : i1
      %jit3A_882 = arith.constant 1 : i32
      %jit3A_883 = arith.constant 0 : i32
      %select_n3A_884 = arith.select %not3A_881, %jit3A_882, %jit3A_883 : i32
      %shift_left3A_885 = arith.constant 2 : i32
      %shift_left3A_886 = arith.shli %select_n3A_884, %shift_left3A_885 : i32
      %or3A_887 = arith.ori %or3A_860, %shift_left3A_886 : i32
      %jit3A_888 = arith.constant -1 : i32
      %select_n3A_889 = arith.select %not3A_881, %add3A_863, %jit3A_888 : i32
      %add3A_890 = arith.addi %add3A_863, %select_n3A_884 : i32
      %or3A_891 = arith.ori %or3A_864, %lt3A_866 : i1
      %lt3A_892 = arith.constant 0.000000e+00 : f32
      %lt3A_893 = arith.cmpf olt, %squeeze3A_133, %lt3A_892 : f32
      %and3A_894 = arith.constant 8 : i32
      %and3A_895 = arith.andi %squeeze3A_586, %and3A_894 : i32
      %ne3A_896 = arith.constant 0 : i32
      %ne3A_897 = arith.cmpi ne, %and3A_895, %ne3A_896 : i32
      %shift_right_arithmetic3A_898 = arith.constant 3 : i32
      %shift_right_arithmetic3A_899 = arith.shrsi %squeeze3A_819, %shift_right_arithmetic3A_898 : i32
      %and3A_900 = arith.constant 7 : i32
      %and3A_901 = arith.andi %shift_right_arithmetic3A_899, %and3A_900 : i32
      %and3A_902 = arith.andi %and3A_901, %or3A_887 : i32
      %ne3A_903 = arith.constant 0 : i32
      %ne3A_904 = arith.cmpi ne, %and3A_902, %ne3A_903 : i32
      %or3A_905 = arith.ori %ne3A_897, %ne3A_904 : i1
      %or3A_906 = arith.ori %or3A_905, %lt3A_893 : i1
      %not3A_907 = arith.constant true
      %not3A_908 = arith.xori %or3A_906, %not3A_907 : i1
      %jit3A_909 = arith.constant 1 : i32
      %jit3A_910 = arith.constant 0 : i32
      %select_n3A_911 = arith.select %not3A_908, %jit3A_909, %jit3A_910 : i32
      %shift_left3A_912 = arith.constant 3 : i32
      %shift_left3A_913 = arith.shli %select_n3A_911, %shift_left3A_912 : i32
      %or3A_914 = arith.ori %or3A_887, %shift_left3A_913 : i32
      %jit3A_915 = arith.constant -1 : i32
      %select_n3A_916 = arith.select %not3A_908, %add3A_890, %jit3A_915 : i32
      %add3A_917 = arith.addi %add3A_890, %select_n3A_911 : i32
      %or3A_918 = arith.ori %or3A_891, %lt3A_893 : i1
      %lt3A_919 = arith.constant 0.000000e+00 : f32
      %lt3A_920 = arith.cmpf olt, %squeeze3A_135, %lt3A_919 : f32
      %and3A_921 = arith.constant 16 : i32
      %and3A_922 = arith.andi %squeeze3A_586, %and3A_921 : i32
      %ne3A_923 = arith.constant 0 : i32
      %ne3A_924 = arith.cmpi ne, %and3A_922, %ne3A_923 : i32
      %shift_right_arithmetic3A_925 = arith.constant 6 : i32
      %shift_right_arithmetic3A_926 = arith.shrsi %squeeze3A_819, %shift_right_arithmetic3A_925 : i32
      %and3A_927 = arith.constant 15 : i32
      %and3A_928 = arith.andi %shift_right_arithmetic3A_926, %and3A_927 : i32
      %and3A_929 = arith.andi %and3A_928, %or3A_914 : i32
      %ne3A_930 = arith.constant 0 : i32
      %ne3A_931 = arith.cmpi ne, %and3A_929, %ne3A_930 : i32
      %or3A_932 = arith.ori %ne3A_924, %ne3A_931 : i1
      %or3A_933 = arith.ori %or3A_932, %lt3A_920 : i1
      %not3A_934 = arith.constant true
      %not3A_935 = arith.xori %or3A_933, %not3A_934 : i1
      %jit3A_936 = arith.constant 1 : i32
      %jit3A_937 = arith.constant 0 : i32
      %select_n3A_938 = arith.select %not3A_935, %jit3A_936, %jit3A_937 : i32
      %shift_left3A_939 = arith.constant 4 : i32
      %shift_left3A_940 = arith.shli %select_n3A_938, %shift_left3A_939 : i32
      %or3A_941 = arith.ori %or3A_914, %shift_left3A_940 : i32
      %jit3A_942 = arith.constant -1 : i32
      %select_n3A_943 = arith.select %not3A_935, %add3A_917, %jit3A_942 : i32
      %add3A_944 = arith.addi %add3A_917, %select_n3A_938 : i32
      %or3A_945 = arith.ori %or3A_918, %lt3A_920 : i1
      %lt3A_946 = arith.constant 0.000000e+00 : f32
      %lt3A_947 = arith.cmpf olt, %squeeze3A_137, %lt3A_946 : f32
      %and3A_948 = arith.constant 32 : i32
      %and3A_949 = arith.andi %squeeze3A_586, %and3A_948 : i32
      %ne3A_950 = arith.constant 0 : i32
      %ne3A_951 = arith.cmpi ne, %and3A_949, %ne3A_950 : i32
      %shift_right_arithmetic3A_952 = arith.constant 10 : i32
      %shift_right_arithmetic3A_953 = arith.shrsi %squeeze3A_819, %shift_right_arithmetic3A_952 : i32
      %and3A_954 = arith.constant 31 : i32
      %and3A_955 = arith.andi %shift_right_arithmetic3A_953, %and3A_954 : i32
      %and3A_956 = arith.andi %and3A_955, %or3A_941 : i32
      %ne3A_957 = arith.constant 0 : i32
      %ne3A_958 = arith.cmpi ne, %and3A_956, %ne3A_957 : i32
      %or3A_959 = arith.ori %ne3A_951, %ne3A_958 : i1
      %or3A_960 = arith.ori %or3A_959, %lt3A_947 : i1
      %not3A_961 = arith.constant true
      %not3A_962 = arith.xori %or3A_960, %not3A_961 : i1
      %jit3A_963 = arith.constant 1 : i32
      %jit3A_964 = arith.constant 0 : i32
      %select_n3A_965 = arith.select %not3A_962, %jit3A_963, %jit3A_964 : i32
      %shift_left3A_966 = arith.constant 5 : i32
      %shift_left3A_967 = arith.shli %select_n3A_965, %shift_left3A_966 : i32
      %or3A_968 = arith.ori %or3A_941, %shift_left3A_967 : i32
      %jit3A_969 = arith.constant -1 : i32
      %select_n3A_970 = arith.select %not3A_962, %add3A_944, %jit3A_969 : i32
      %add3A_971 = arith.addi %add3A_944, %select_n3A_965 : i32
      %or3A_972 = arith.ori %or3A_945, %lt3A_947 : i1
      %lt3A_973 = arith.constant 0.000000e+00 : f32
      %lt3A_974 = arith.cmpf olt, %squeeze3A_139, %lt3A_973 : f32
      %and3A_975 = arith.constant 64 : i32
      %and3A_976 = arith.andi %squeeze3A_586, %and3A_975 : i32
      %ne3A_977 = arith.constant 0 : i32
      %ne3A_978 = arith.cmpi ne, %and3A_976, %ne3A_977 : i32
      %shift_right_arithmetic3A_979 = arith.constant 15 : i32
      %shift_right_arithmetic3A_980 = arith.shrsi %squeeze3A_819, %shift_right_arithmetic3A_979 : i32
      %and3A_981 = arith.constant 63 : i32
      %and3A_982 = arith.andi %shift_right_arithmetic3A_980, %and3A_981 : i32
      %and3A_983 = arith.andi %and3A_982, %or3A_968 : i32
      %ne3A_984 = arith.constant 0 : i32
      %ne3A_985 = arith.cmpi ne, %and3A_983, %ne3A_984 : i32
      %or3A_986 = arith.ori %ne3A_978, %ne3A_985 : i1
      %or3A_987 = arith.ori %or3A_986, %lt3A_974 : i1
      %not3A_988 = arith.constant true
      %not3A_989 = arith.xori %or3A_987, %not3A_988 : i1
      %jit3A_990 = arith.constant 1 : i32
      %jit3A_991 = arith.constant 0 : i32
      %select_n3A_992 = arith.select %not3A_989, %jit3A_990, %jit3A_991 : i32
      %shift_left3A_993 = arith.constant 6 : i32
      %shift_left3A_994 = arith.shli %select_n3A_992, %shift_left3A_993 : i32
      %or3A_995 = arith.ori %or3A_968, %shift_left3A_994 : i32
      %jit3A_996 = arith.constant -1 : i32
      %select_n3A_997 = arith.select %not3A_989, %add3A_971, %jit3A_996 : i32
      %add3A_998 = arith.addi %add3A_971, %select_n3A_992 : i32
      %or3A_999 = arith.ori %or3A_972, %lt3A_974 : i1
      %lt3A_1000 = arith.constant 0.000000e+00 : f32
      %lt3A_1001 = arith.cmpf olt, %squeeze3A_141, %lt3A_1000 : f32
      %and3A_1002 = arith.constant 128 : i32
      %and3A_1003 = arith.andi %squeeze3A_586, %and3A_1002 : i32
      %ne3A_1004 = arith.constant 0 : i32
      %ne3A_1005 = arith.cmpi ne, %and3A_1003, %ne3A_1004 : i32
      %shift_right_arithmetic3A_1006 = arith.constant 21 : i32
      %shift_right_arithmetic3A_1007 = arith.shrsi %squeeze3A_819, %shift_right_arithmetic3A_1006 : i32
      %and3A_1008 = arith.constant 127 : i32
      %and3A_1009 = arith.andi %shift_right_arithmetic3A_1007, %and3A_1008 : i32
      %and3A_1010 = arith.andi %and3A_1009, %or3A_995 : i32
      %ne3A_1011 = arith.constant 0 : i32
      %ne3A_1012 = arith.cmpi ne, %and3A_1010, %ne3A_1011 : i32
      %or3A_1013 = arith.ori %ne3A_1005, %ne3A_1012 : i1
      %or3A_1014 = arith.ori %or3A_1013, %lt3A_1001 : i1
      %not3A_1015 = arith.constant true
      %not3A_1016 = arith.xori %or3A_1014, %not3A_1015 : i1
      %jit3A_1017 = arith.constant 1 : i32
      %jit3A_1018 = arith.constant 0 : i32
      %select_n3A_1019 = arith.select %not3A_1016, %jit3A_1017, %jit3A_1018 : i32
      %shift_left3A_1020 = arith.constant 7 : i32
      %shift_left3A_1021 = arith.shli %select_n3A_1019, %shift_left3A_1020 : i32
      %or3A_1022 = arith.ori %or3A_995, %shift_left3A_1021 : i32
      %jit3A_1023 = arith.constant -1 : i32
      %select_n3A_1024 = arith.select %not3A_1016, %add3A_998, %jit3A_1023 : i32
      %add3A_1025 = arith.addi %add3A_998, %select_n3A_1019 : i32
      %or3A_1026 = arith.ori %or3A_999, %lt3A_1001 : i1
      %eq3A = vector.broadcast %select_n3A_835 : i32 to vector<8x128xi32>
      %eq3A_1027 = arith.cmpi eq, %add3A, %eq3A : vector<8x128xi32>
      %broadcast_in_dim3A_1028 = vector.broadcast %squeeze3A_159 : f32 to vector<8x128xf32>
      %select_n3A_1029 = arith.select %eq3A_1027, %broadcast_in_dim3A_1028, %while3A_115 : vector<8x128xi1>, vector<8x128xf32>
      %broadcast_in_dim3A_1030 = vector.broadcast %squeeze3A_175 : f32 to vector<8x128xf32>
      %select_n3A_1031 = arith.select %eq3A_1027, %broadcast_in_dim3A_1030, %while3A_116 : vector<8x128xi1>, vector<8x128xf32>
      %broadcast_in_dim3A_1032 = vector.broadcast %squeeze3A_191 : f32 to vector<8x128xf32>
      %select_n3A_1033 = arith.select %eq3A_1027, %broadcast_in_dim3A_1032, %while3A_117 : vector<8x128xi1>, vector<8x128xf32>
      %broadcast_in_dim3A_1034 = vector.broadcast %squeeze3A_207 : f32 to vector<8x128xf32>
      %select_n3A_1035 = arith.select %eq3A_1027, %broadcast_in_dim3A_1034, %while3A_118 : vector<8x128xi1>, vector<8x128xf32>
      %broadcast_in_dim3A_1036 = vector.broadcast %squeeze3A : f32 to vector<8x128xf32>
      %select_n3A_1037 = arith.select %eq3A_1027, %broadcast_in_dim3A_1036, %while3A_119 : vector<8x128xi1>, vector<8x128xf32>
      %broadcast_in_dim3A_1038 = vector.broadcast %squeeze3A_143 : f32 to vector<8x128xf32>
      %select_n3A_1039 = arith.select %eq3A_1027, %broadcast_in_dim3A_1038, %while3A_120 : vector<8x128xi1>, vector<8x128xf32>
      %jit3A_1040 = arith.constant 1.000000e+00 : f32
      %broadcast_in_dim3A_1041 = vector.broadcast %jit3A_1040 : f32 to vector<8x128xf32>
      %select_n3A_1042 = arith.select %eq3A_1027, %broadcast_in_dim3A_1041, %while3A_114 : vector<8x128xi1>, vector<8x128xf32>
      %eq3A_1043 = vector.broadcast %select_n3A_862 : i32 to vector<8x128xi32>
      %eq3A_1044 = arith.cmpi eq, %add3A, %eq3A_1043 : vector<8x128xi32>
      %broadcast_in_dim3A_1045 = vector.broadcast %squeeze3A_161 : f32 to vector<8x128xf32>
      %select_n3A_1046 = arith.select %eq3A_1044, %broadcast_in_dim3A_1045, %select_n3A_1029 : vector<8x128xi1>, vector<8x128xf32>
      %broadcast_in_dim3A_1047 = vector.broadcast %squeeze3A_177 : f32 to vector<8x128xf32>
      %select_n3A_1048 = arith.select %eq3A_1044, %broadcast_in_dim3A_1047, %select_n3A_1031 : vector<8x128xi1>, vector<8x128xf32>
      %broadcast_in_dim3A_1049 = vector.broadcast %squeeze3A_193 : f32 to vector<8x128xf32>
      %select_n3A_1050 = arith.select %eq3A_1044, %broadcast_in_dim3A_1049, %select_n3A_1033 : vector<8x128xi1>, vector<8x128xf32>
      %broadcast_in_dim3A_1051 = vector.broadcast %squeeze3A_209 : f32 to vector<8x128xf32>
      %select_n3A_1052 = arith.select %eq3A_1044, %broadcast_in_dim3A_1051, %select_n3A_1035 : vector<8x128xi1>, vector<8x128xf32>
      %broadcast_in_dim3A_1053 = vector.broadcast %squeeze3A_129 : f32 to vector<8x128xf32>
      %select_n3A_1054 = arith.select %eq3A_1044, %broadcast_in_dim3A_1053, %select_n3A_1037 : vector<8x128xi1>, vector<8x128xf32>
      %broadcast_in_dim3A_1055 = vector.broadcast %squeeze3A_145 : f32 to vector<8x128xf32>
      %select_n3A_1056 = arith.select %eq3A_1044, %broadcast_in_dim3A_1055, %select_n3A_1039 : vector<8x128xi1>, vector<8x128xf32>
      %jit3A_1057 = arith.constant 1.000000e+00 : f32
      %broadcast_in_dim3A_1058 = vector.broadcast %jit3A_1057 : f32 to vector<8x128xf32>
      %select_n3A_1059 = arith.select %eq3A_1044, %broadcast_in_dim3A_1058, %select_n3A_1042 : vector<8x128xi1>, vector<8x128xf32>
      %eq3A_1060 = vector.broadcast %select_n3A_889 : i32 to vector<8x128xi32>
      %eq3A_1061 = arith.cmpi eq, %add3A, %eq3A_1060 : vector<8x128xi32>
      %broadcast_in_dim3A_1062 = vector.broadcast %squeeze3A_163 : f32 to vector<8x128xf32>
      %select_n3A_1063 = arith.select %eq3A_1061, %broadcast_in_dim3A_1062, %select_n3A_1046 : vector<8x128xi1>, vector<8x128xf32>
      %broadcast_in_dim3A_1064 = vector.broadcast %squeeze3A_179 : f32 to vector<8x128xf32>
      %select_n3A_1065 = arith.select %eq3A_1061, %broadcast_in_dim3A_1064, %select_n3A_1048 : vector<8x128xi1>, vector<8x128xf32>
      %broadcast_in_dim3A_1066 = vector.broadcast %squeeze3A_195 : f32 to vector<8x128xf32>
      %select_n3A_1067 = arith.select %eq3A_1061, %broadcast_in_dim3A_1066, %select_n3A_1050 : vector<8x128xi1>, vector<8x128xf32>
      %broadcast_in_dim3A_1068 = vector.broadcast %squeeze3A_211 : f32 to vector<8x128xf32>
      %select_n3A_1069 = arith.select %eq3A_1061, %broadcast_in_dim3A_1068, %select_n3A_1052 : vector<8x128xi1>, vector<8x128xf32>
      %broadcast_in_dim3A_1070 = vector.broadcast %squeeze3A_131 : f32 to vector<8x128xf32>
      %select_n3A_1071 = arith.select %eq3A_1061, %broadcast_in_dim3A_1070, %select_n3A_1054 : vector<8x128xi1>, vector<8x128xf32>
      %broadcast_in_dim3A_1072 = vector.broadcast %squeeze3A_147 : f32 to vector<8x128xf32>
      %select_n3A_1073 = arith.select %eq3A_1061, %broadcast_in_dim3A_1072, %select_n3A_1056 : vector<8x128xi1>, vector<8x128xf32>
      %jit3A_1074 = arith.constant 1.000000e+00 : f32
      %broadcast_in_dim3A_1075 = vector.broadcast %jit3A_1074 : f32 to vector<8x128xf32>
      %select_n3A_1076 = arith.select %eq3A_1061, %broadcast_in_dim3A_1075, %select_n3A_1059 : vector<8x128xi1>, vector<8x128xf32>
      %eq3A_1077 = vector.broadcast %select_n3A_916 : i32 to vector<8x128xi32>
      %eq3A_1078 = arith.cmpi eq, %add3A, %eq3A_1077 : vector<8x128xi32>
      %broadcast_in_dim3A_1079 = vector.broadcast %squeeze3A_165 : f32 to vector<8x128xf32>
      %select_n3A_1080 = arith.select %eq3A_1078, %broadcast_in_dim3A_1079, %select_n3A_1063 : vector<8x128xi1>, vector<8x128xf32>
      %broadcast_in_dim3A_1081 = vector.broadcast %squeeze3A_181 : f32 to vector<8x128xf32>
      %select_n3A_1082 = arith.select %eq3A_1078, %broadcast_in_dim3A_1081, %select_n3A_1065 : vector<8x128xi1>, vector<8x128xf32>
      %broadcast_in_dim3A_1083 = vector.broadcast %squeeze3A_197 : f32 to vector<8x128xf32>
      %select_n3A_1084 = arith.select %eq3A_1078, %broadcast_in_dim3A_1083, %select_n3A_1067 : vector<8x128xi1>, vector<8x128xf32>
      %broadcast_in_dim3A_1085 = vector.broadcast %squeeze3A_213 : f32 to vector<8x128xf32>
      %select_n3A_1086 = arith.select %eq3A_1078, %broadcast_in_dim3A_1085, %select_n3A_1069 : vector<8x128xi1>, vector<8x128xf32>
      %broadcast_in_dim3A_1087 = vector.broadcast %squeeze3A_133 : f32 to vector<8x128xf32>
      %select_n3A_1088 = arith.select %eq3A_1078, %broadcast_in_dim3A_1087, %select_n3A_1071 : vector<8x128xi1>, vector<8x128xf32>
      %broadcast_in_dim3A_1089 = vector.broadcast %squeeze3A_149 : f32 to vector<8x128xf32>
      %select_n3A_1090 = arith.select %eq3A_1078, %broadcast_in_dim3A_1089, %select_n3A_1073 : vector<8x128xi1>, vector<8x128xf32>
      %jit3A_1091 = arith.constant 1.000000e+00 : f32
      %broadcast_in_dim3A_1092 = vector.broadcast %jit3A_1091 : f32 to vector<8x128xf32>
      %select_n3A_1093 = arith.select %eq3A_1078, %broadcast_in_dim3A_1092, %select_n3A_1076 : vector<8x128xi1>, vector<8x128xf32>
      %eq3A_1094 = vector.broadcast %select_n3A_943 : i32 to vector<8x128xi32>
      %eq3A_1095 = arith.cmpi eq, %add3A, %eq3A_1094 : vector<8x128xi32>
      %broadcast_in_dim3A_1096 = vector.broadcast %squeeze3A_167 : f32 to vector<8x128xf32>
      %select_n3A_1097 = arith.select %eq3A_1095, %broadcast_in_dim3A_1096, %select_n3A_1080 : vector<8x128xi1>, vector<8x128xf32>
      %broadcast_in_dim3A_1098 = vector.broadcast %squeeze3A_183 : f32 to vector<8x128xf32>
      %select_n3A_1099 = arith.select %eq3A_1095, %broadcast_in_dim3A_1098, %select_n3A_1082 : vector<8x128xi1>, vector<8x128xf32>
      %broadcast_in_dim3A_1100 = vector.broadcast %squeeze3A_199 : f32 to vector<8x128xf32>
      %select_n3A_1101 = arith.select %eq3A_1095, %broadcast_in_dim3A_1100, %select_n3A_1084 : vector<8x128xi1>, vector<8x128xf32>
      %broadcast_in_dim3A_1102 = vector.broadcast %squeeze3A_215 : f32 to vector<8x128xf32>
      %select_n3A_1103 = arith.select %eq3A_1095, %broadcast_in_dim3A_1102, %select_n3A_1086 : vector<8x128xi1>, vector<8x128xf32>
      %broadcast_in_dim3A_1104 = vector.broadcast %squeeze3A_135 : f32 to vector<8x128xf32>
      %select_n3A_1105 = arith.select %eq3A_1095, %broadcast_in_dim3A_1104, %select_n3A_1088 : vector<8x128xi1>, vector<8x128xf32>
      %broadcast_in_dim3A_1106 = vector.broadcast %squeeze3A_151 : f32 to vector<8x128xf32>
      %select_n3A_1107 = arith.select %eq3A_1095, %broadcast_in_dim3A_1106, %select_n3A_1090 : vector<8x128xi1>, vector<8x128xf32>
      %jit3A_1108 = arith.constant 1.000000e+00 : f32
      %broadcast_in_dim3A_1109 = vector.broadcast %jit3A_1108 : f32 to vector<8x128xf32>
      %select_n3A_1110 = arith.select %eq3A_1095, %broadcast_in_dim3A_1109, %select_n3A_1093 : vector<8x128xi1>, vector<8x128xf32>
      %eq3A_1111 = vector.broadcast %select_n3A_970 : i32 to vector<8x128xi32>
      %eq3A_1112 = arith.cmpi eq, %add3A, %eq3A_1111 : vector<8x128xi32>
      %broadcast_in_dim3A_1113 = vector.broadcast %squeeze3A_169 : f32 to vector<8x128xf32>
      %select_n3A_1114 = arith.select %eq3A_1112, %broadcast_in_dim3A_1113, %select_n3A_1097 : vector<8x128xi1>, vector<8x128xf32>
      %broadcast_in_dim3A_1115 = vector.broadcast %squeeze3A_185 : f32 to vector<8x128xf32>
      %select_n3A_1116 = arith.select %eq3A_1112, %broadcast_in_dim3A_1115, %select_n3A_1099 : vector<8x128xi1>, vector<8x128xf32>
      %broadcast_in_dim3A_1117 = vector.broadcast %squeeze3A_201 : f32 to vector<8x128xf32>
      %select_n3A_1118 = arith.select %eq3A_1112, %broadcast_in_dim3A_1117, %select_n3A_1101 : vector<8x128xi1>, vector<8x128xf32>
      %broadcast_in_dim3A_1119 = vector.broadcast %squeeze3A_217 : f32 to vector<8x128xf32>
      %select_n3A_1120 = arith.select %eq3A_1112, %broadcast_in_dim3A_1119, %select_n3A_1103 : vector<8x128xi1>, vector<8x128xf32>
      %broadcast_in_dim3A_1121 = vector.broadcast %squeeze3A_137 : f32 to vector<8x128xf32>
      %select_n3A_1122 = arith.select %eq3A_1112, %broadcast_in_dim3A_1121, %select_n3A_1105 : vector<8x128xi1>, vector<8x128xf32>
      %broadcast_in_dim3A_1123 = vector.broadcast %squeeze3A_153 : f32 to vector<8x128xf32>
      %select_n3A_1124 = arith.select %eq3A_1112, %broadcast_in_dim3A_1123, %select_n3A_1107 : vector<8x128xi1>, vector<8x128xf32>
      %jit3A_1125 = arith.constant 1.000000e+00 : f32
      %broadcast_in_dim3A_1126 = vector.broadcast %jit3A_1125 : f32 to vector<8x128xf32>
      %select_n3A_1127 = arith.select %eq3A_1112, %broadcast_in_dim3A_1126, %select_n3A_1110 : vector<8x128xi1>, vector<8x128xf32>
      %eq3A_1128 = vector.broadcast %select_n3A_997 : i32 to vector<8x128xi32>
      %eq3A_1129 = arith.cmpi eq, %add3A, %eq3A_1128 : vector<8x128xi32>
      %broadcast_in_dim3A_1130 = vector.broadcast %squeeze3A_171 : f32 to vector<8x128xf32>
      %select_n3A_1131 = arith.select %eq3A_1129, %broadcast_in_dim3A_1130, %select_n3A_1114 : vector<8x128xi1>, vector<8x128xf32>
      %broadcast_in_dim3A_1132 = vector.broadcast %squeeze3A_187 : f32 to vector<8x128xf32>
      %select_n3A_1133 = arith.select %eq3A_1129, %broadcast_in_dim3A_1132, %select_n3A_1116 : vector<8x128xi1>, vector<8x128xf32>
      %broadcast_in_dim3A_1134 = vector.broadcast %squeeze3A_203 : f32 to vector<8x128xf32>
      %select_n3A_1135 = arith.select %eq3A_1129, %broadcast_in_dim3A_1134, %select_n3A_1118 : vector<8x128xi1>, vector<8x128xf32>
      %broadcast_in_dim3A_1136 = vector.broadcast %squeeze3A_219 : f32 to vector<8x128xf32>
      %select_n3A_1137 = arith.select %eq3A_1129, %broadcast_in_dim3A_1136, %select_n3A_1120 : vector<8x128xi1>, vector<8x128xf32>
      %broadcast_in_dim3A_1138 = vector.broadcast %squeeze3A_139 : f32 to vector<8x128xf32>
      %select_n3A_1139 = arith.select %eq3A_1129, %broadcast_in_dim3A_1138, %select_n3A_1122 : vector<8x128xi1>, vector<8x128xf32>
      %broadcast_in_dim3A_1140 = vector.broadcast %squeeze3A_155 : f32 to vector<8x128xf32>
      %select_n3A_1141 = arith.select %eq3A_1129, %broadcast_in_dim3A_1140, %select_n3A_1124 : vector<8x128xi1>, vector<8x128xf32>
      %jit3A_1142 = arith.constant 1.000000e+00 : f32
      %broadcast_in_dim3A_1143 = vector.broadcast %jit3A_1142 : f32 to vector<8x128xf32>
      %select_n3A_1144 = arith.select %eq3A_1129, %broadcast_in_dim3A_1143, %select_n3A_1127 : vector<8x128xi1>, vector<8x128xf32>
      %eq3A_1145 = vector.broadcast %select_n3A_1024 : i32 to vector<8x128xi32>
      %eq3A_1146 = arith.cmpi eq, %add3A, %eq3A_1145 : vector<8x128xi32>
      %broadcast_in_dim3A_1147 = vector.broadcast %squeeze3A_173 : f32 to vector<8x128xf32>
      %select_n3A_1148 = arith.select %eq3A_1146, %broadcast_in_dim3A_1147, %select_n3A_1131 : vector<8x128xi1>, vector<8x128xf32>
      %broadcast_in_dim3A_1149 = vector.broadcast %squeeze3A_189 : f32 to vector<8x128xf32>
      %select_n3A_1150 = arith.select %eq3A_1146, %broadcast_in_dim3A_1149, %select_n3A_1133 : vector<8x128xi1>, vector<8x128xf32>
      %broadcast_in_dim3A_1151 = vector.broadcast %squeeze3A_205 : f32 to vector<8x128xf32>
      %select_n3A_1152 = arith.select %eq3A_1146, %broadcast_in_dim3A_1151, %select_n3A_1135 : vector<8x128xi1>, vector<8x128xf32>
      %broadcast_in_dim3A_1153 = vector.broadcast %squeeze3A_221 : f32 to vector<8x128xf32>
      %select_n3A_1154 = arith.select %eq3A_1146, %broadcast_in_dim3A_1153, %select_n3A_1137 : vector<8x128xi1>, vector<8x128xf32>
      %broadcast_in_dim3A_1155 = vector.broadcast %squeeze3A_141 : f32 to vector<8x128xf32>
      %select_n3A_1156 = arith.select %eq3A_1146, %broadcast_in_dim3A_1155, %select_n3A_1139 : vector<8x128xi1>, vector<8x128xf32>
      %broadcast_in_dim3A_1157 = vector.broadcast %squeeze3A_157 : f32 to vector<8x128xf32>
      %select_n3A_1158 = arith.select %eq3A_1146, %broadcast_in_dim3A_1157, %select_n3A_1141 : vector<8x128xi1>, vector<8x128xf32>
      %jit3A_1159 = arith.constant 1.000000e+00 : f32
      %broadcast_in_dim3A_1160 = vector.broadcast %jit3A_1159 : f32 to vector<8x128xf32>
      %select_n3A_1161 = arith.select %eq3A_1146, %broadcast_in_dim3A_1160, %select_n3A_1144 : vector<8x128xi1>, vector<8x128xf32>
      %add3A_1162 = arith.constant 8 : i32
      %add3A_1163 = arith.addi %while3A_111, %add3A_1162 : i32
      %convert_element_type3A = arith.extui %or3A_1026 : i1 to i32
      scf.yield %add3A_1163, %add3A_1025, %convert_element_type3A, %select_n3A_1161, %select_n3A_1148, %select_n3A_1150, %select_n3A_1152, %select_n3A_1154, %select_n3A_1156, %select_n3A_1158 : i32, i32, i32, vector<8x128xf32>, vector<8x128xf32>, vector<8x128xf32>, vector<8x128xf32>, vector<8x128xf32>, vector<8x128xf32>, vector<8x128xf32>
    }
    %mul3A_92 = arith.mulf %while3A_91#4, %while3A_91#3 : vector<8x128xf32>
    %swap3A = arith.constant 0 : index
    %swap3A_93 = arith.constant 0 : index
    %swap3A_94 = vector.load %arg1[%swap3A, %swap3A_93] : memref<8x128xf32, #tpu.memory_space<vmem>>, vector<8x128xf32>
    tpu.vector_store %arg1[%swap3A, %swap3A_93], %mul3A_92 {strides = array<i32>} : memref<8x128xf32, #tpu.memory_space<vmem>>, vector<8x128xf32>,
    %mul3A_95 = arith.mulf %while3A_91#5, %while3A_91#3 : vector<8x128xf32>
    %swap3A_96 = arith.constant 0 : index
    %swap3A_97 = arith.constant 0 : index
    %swap3A_98 = vector.load %arg2[%swap3A_96, %swap3A_97] : memref<8x128xf32, #tpu.memory_space<vmem>>, vector<8x128xf32>
    tpu.vector_store %arg2[%swap3A_96, %swap3A_97], %mul3A_95 {strides = array<i32>} : memref<8x128xf32, #tpu.memory_space<vmem>>, vector<8x128xf32>,
    %mul3A_99 = arith.mulf %while3A_91#6, %while3A_91#3 : vector<8x128xf32>
    %swap3A_100 = arith.constant 0 : index
    %swap3A_101 = arith.constant 0 : index
    %swap3A_102 = vector.load %arg3[%swap3A_100, %swap3A_101] : memref<8x128xf32, #tpu.memory_space<vmem>>, vector<8x128xf32>
    tpu.vector_store %arg3[%swap3A_100, %swap3A_101], %mul3A_99 {strides = array<i32>} : memref<8x128xf32, #tpu.memory_space<vmem>>, vector<8x128xf32>,
    %mul3A_103 = arith.mulf %while3A_91#7, %while3A_91#3 : vector<8x128xf32>
    %swap3A_104 = arith.constant 0 : index
    %swap3A_105 = arith.constant 0 : index
    %swap3A_106 = vector.load %arg4[%swap3A_104, %swap3A_105] : memref<8x128xf32, #tpu.memory_space<vmem>>, vector<8x128xf32>
    tpu.vector_store %arg4[%swap3A_104, %swap3A_105], %mul3A_103 {strides = array<i32>} : memref<8x128xf32, #tpu.memory_space<vmem>>, vector<8x128xf32>,
    %mul3A_107 = arith.mulf %while3A_91#8, %while3A_91#3 : vector<8x128xf32>
    %swap3A_108 = arith.constant 0 : index
    %swap3A_109 = arith.constant 0 : index
    %swap3A_110 = vector.load %arg5[%swap3A_108, %swap3A_109] : memref<8x128xf32, #tpu.memory_space<vmem>>, vector<8x128xf32>
    tpu.vector_store %arg5[%swap3A_108, %swap3A_109], %mul3A_107 {strides = array<i32>} : memref<8x128xf32, #tpu.memory_space<vmem>>, vector<8x128xf32>,
    return
  }
}

</mosaic_0001>

<sc_bundles>
// kernel: kernel.5.cloned.1.call-start
scs
__scs_entry_jumppad:
0x0: {  	(pc) =	sbr.rel $0x88, $3  }
0x1: {  	(tag) =	ssettag $0x0;
	lr =	simm.s32 $0x1  }
0x2: {  	[smem:$0x3F9E] =	sst lr;
	_ =	strace $0xD0000000  }
0x3: {  	_ = 	snop  }
0x4: {  	_ = 	snop  }
0x5: {  	_ = 	snop  }
0x6: {  	_ = 	snop  }
0x7: {  	_ = 	snop  }
__scs_overlays_trampoline_lowered:
0x8: {  	[smem:$0x3FAD] =	sst s0  }
0x9: {  	[smem:$0x3FAE] =	sst s1  }
0xa: {  	[smem:$0x3FAF] =	sst s2  }
0xb: {  	[smem:$0x3FB0] =	sst s3  }
0xc: {  	[smem:$0x3FB1] =	sst s4  }
0xd: {  	[smem:$0x3FB2] =	sst s5  }
0xe: {  	[smem:$0x3FB3] =	sst s6  }
0xf: {  	[smem:$0x3FB4] =	sst s7  }
0x10: {  	[smem:$0x3FB5] =	sst s8  }
0x11: {  	[smem:$0x3FB6] =	sst s9;
	s0 =	simm.s32 @!p0 $0x0  }
0x12: {  	s1 =	sld [smem:$0x3F9C];
	s0 =	simm.s32 @p0 $0x1  }
0x13: {  	[smem:$0x3FB7] =	sst s0;
	s0 =	simm.s32 @!p1 $0x0  }
0x14: {  	s2 =	sld [smem:$0x3F9B];
	s0 =	simm.s32 @p1 $0x1  }
0x15: {  	[smem:$0x3FB8] =	sst s0;
	s0 =	simm.s32 @!p2 $0x0  }
0x16: {  	s3 =	sld [smem:$0x3FDB];
	s0 =	simm.s32 @p2 $0x1  }
0x17: {  	s4 =	simm.s32 $0x1BF5;
	[smem:$0x3FBA] =	sst s0  }
0x18: {  	s0 =	sld [smem:$0x3F9D];
	_ =	swait.ge [sflag:s4], $0x0  }
0x19: {  	s7 =	sld [smem:$0x3F9E]  }
0x1a: {  	s8 =	sadd.s32 $0xFFFFE003, lr  }
0x1b: {  	s9 =	sadd.s32 $0xFFFFFEF7, lr;
	s5 =	simm.s32 $0xFFFFFFFF;
	p2 =	slt.u32 s8, $0xFFFFF086  }
0x1c: {  	p1 =	slt.u32 s9, $0xF7A;
	s5 =	simm.s32 @!p2 $0x0  }
0x1d: {  	s5 =	simm.s32 @p1 $0x1;
	p0 =	seq.s32 s7, s2  }
0x1e: {  	s7 =	smul.u32 @!p0 $0xF7A, s2;
	p2 =	seq.s32 @!p0 s5, $0x0  }
0x1f: {  	s9 =	smul.u32 $0xF7A, s1;
	s8 =	simm.s32 @!p0 $0x1BF5;
	p2 =	por !p2, p0  }
0x20: {  	[sflag:s8] =	ssyncset.s32 @!p0 $0xFFFFF086;
	s6 =	sadd.s32 @!p0 s3, s7;
	s7 =	simm.s32 @!p0 $0x108  }
0x21: {  	s3 =	sadd.s32 s3, s9;
	s6 =	sadd.s32 @!p0 $0x88, s6;
	s7 =	simm.s32 @p2 $0x1082  }
0x22: {  	[simem:s7], [sflag:s8] =	dma.local @!p0 [hbm:s6], $0xF7A  }
0x23: {  	s9 =	sor.u32 $0xD0000000, s2;
	s6 =	simm.s32 $0x108;
	_ =	swait.ge @!p0 [sflag:s8], $0x0  }
0x24: {  	s3 =	sadd.s32 $0x88, s3;
	s6 =	simm.s32 @!p1 $0x1082;
	[sflag:s4] =	ssyncset.s32 $0xFFFFF086  }
0x25: {  	[simem:s6], [sflag:s4] =	dma.local [hbm:s3], $0xF7A  }
0x26: {  	[smem:$0x3F9E] =	sst s1;
	(tag) =	ssettag s2;
	_ =	strace s9  }
0x27: {  	s1 =	sld [smem:$0x3FAE]  }
0x28: {  	s2 =	sld [smem:$0x3FAF]  }
0x29: {  	s4 =	sld [smem:$0x3FB1]  }
0x2a: {  	p0 =	seq.s32 s5, $0x0;
	s5 =	sld [smem:$0x3FB2]  }
0x2b: {  	s6 =	sld [smem:$0x3FB3]  }
0x2c: {  	s7 =	sld [smem:$0x3FB4]  }
0x2d: {  	s3 =	simm.s32 $0x108;
	s8 =	sld [smem:$0x3FB5]  }
0x2e: {  	s3 =	simm.s32 @!p0 $0x1082;
	s9 =	sld [smem:$0x3FB6]  }
0x2f: {  	lr =	sadd.s32 s0, s3;
	s0 =	sld [smem:$0x3FAD]  }
0x30: {  	s3 =	sld [smem:$0x3FB0]  }
0x31: {  	[smem:$0x3FB9] =	sst s10  }
0x32: {  	s10 =	sld [smem:$0x3FB7];
	_ =	sdelay $0x3  }
0x33: {  	p0 =	seq.s32 s10, $0x1;
	s10 =	sld [smem:$0x3FB9];
	_ =	sdelay $0x3  }
0x34: {  	[smem:$0x3FB9] =	sst s10  }
0x35: {  	s10 =	sld [smem:$0x3FB8];
	_ =	sdelay $0x3  }
0x36: {  	p1 =	seq.s32 s10, $0x1;
	s10 =	sld [smem:$0x3FB9];
	_ =	sdelay $0x3  }
0x37: {  	[smem:$0x3FB9] =	sst s10  }
0x38: {  	s10 =	sld [smem:$0x3FBA]  }
0x39: {  	_ = 	snop;
	(pc) =	sbr.ind lr, $3  }
0x3a: {  	_ = 	snop  }
0x3b: {  	_ = 	snop  }
0x3c: {  	p2 =	seq.s32 s10, $0x1;
	s10 =	sld [smem:$0x3FB9]  }
0x3d: {  	_ =	shalt  }
0x3e: {  	_ =	shalt  }
0x3f: {  	_ =	shalt  }
0x40: {  	_ =	shalt  }
0x41: {  	_ =	shalt  }
0x42: {  	_ =	shalt  }
0x43: {  	_ =	shalt  }
0x44: {  	_ =	shalt  }
0x45: {  	_ =	shalt  }
0x46: {  	_ =	shalt  }
0x47: {  	_ =	shalt  }
0x48: {  	_ =	shalt  }
0x49: {  	_ =	shalt  }
0x4a: {  	_ =	shalt  }
0x4b: {  	_ =	shalt  }
0x4c: {  	_ =	shalt  }
0x4d: {  	_ =	shalt  }
0x4e: {  	_ =	shalt  }
0x4f: {  	_ =	shalt  }
0x50: {  	_ =	shalt  }
0x51: {  	_ =	shalt  }
0x52: {  	_ =	shalt  }
0x53: {  	_ =	shalt  }
0x54: {  	_ =	shalt  }
0x55: {  	_ =	shalt  }
0x56: {  	_ =	shalt  }
0x57: {  	_ =	shalt  }
0x58: {  	_ =	shalt  }
0x59: {  	_ =	shalt  }
0x5a: {  	_ =	shalt  }
0x5b: {  	_ =	shalt  }
0x5c: {  	_ =	shalt  }
0x5d: {  	_ =	shalt  }
0x5e: {  	_ =	shalt  }
0x5f: {  	_ =	shalt  }
0x60: {  	_ =	shalt  }
0x61: {  	_ =	shalt  }
0x62: {  	_ =	shalt  }
0x63: {  	_ =	shalt  }
0x64: {  	_ =	shalt  }
0x65: {  	_ =	shalt  }
0x66: {  	_ =	shalt  }
0x67: {  	_ =	shalt  }
0x68: {  	_ =	shalt  }
0x69: {  	_ =	shalt  }
0x6a: {  	_ =	shalt  }
0x6b: {  	_ =	shalt  }
0x6c: {  	_ =	shalt  }
0x6d: {  	_ =	shalt  }
0x6e: {  	_ =	shalt  }
0x6f: {  	_ =	shalt  }
0x70: {  	_ =	shalt  }
0x71: {  	_ =	shalt  }
0x72: {  	_ =	shalt  }
0x73: {  	_ =	shalt  }
0x74: {  	_ =	shalt  }
0x75: {  	_ =	shalt  }
0x76: {  	_ =	shalt  }
0x77: {  	_ =	shalt  }
0x78: {  	_ =	shalt  }
0x79: {  	_ =	shalt  }
0x7a: {  	_ =	shalt  }
0x7b: {  	_ =	shalt  }
0x7c: {  	_ =	shalt  }
0x7d: {  	_ =	shalt  }
0x7e: {  	_ =	shalt  }
0x7f: {  	_ =	shalt  }
0x80: {  	_ =	shalt  }
0x81: {  	_ =	shalt  }
0x82: {  	_ =	shalt  }
0x83: {  	_ =	shalt  }
0x84: {  	_ =	shalt  }
0x85: {  	_ =	shalt  }
0x86: {  	_ =	shalt  }
0x87: {  	_ =	shalt  }
.Lfunc_end0:
.L_simem_size_0:
called_computation_lowered:
.L_overlay_start_0:
0x88: {  	s2 =	sld [smem:$0x3FD9]  }
0x89: {  	s3 =	sld [smem:$0x3FFE];
	_ =	sdelay $0x1  }
0x8a: {  	s1 =	srdreg.scid  }
0x8b: {  	s0 =	sand.u32 $0x1, s1  }
0x8c: {  	s16 =	sshll.u32 s0, $0xA;
	s2 =	sadd.s32 s3, s2  }
0x8d: {  	s2 =	sadd.s32 s2, s16  }
0x8e: {  	[smem:$0x3FC5] =	sst s2  }
0x8f: {  	_ = 	snop  }
0x90: {  	(tm) =	ssettm $0x1  }
0x91: {  	s17 =	sld [smem:$0x3FFB];
	_ =	sdelay $0x3  }
0x92: {  	_ =	strace s17  }
0x93: {  	s2 =	sld [smem:$0x3FFC];
	_ =	sdelay $0x3  }
0x94: {  	_ =	strace s2  }
0x95: {  	s2 =	sld [smem:$0x3FFD];
	_ =	sdelay $0x3  }
0x96: {  	_ =	strace s2  }
0x97: {  	_ =	strace $0x8FFFFFFF  }
0x98: {  	s18 =	sld [smem:$0x3FDB];
	_ =	sdelay $0x1  }
0x99: {  	s19 =	simm.s32 $_scs_section_size  }
0x9a: {  	s4 =	simm.s32 $_size__tile_overlayer_lowered;
	s5 =	simm.s32 $_tile_overlayer_lowered  }
0x9b: {  	s22 =	simm.s32 $0x1BFF;
	s21 =	sshll.u32 s5, $0x1;
	s2 =	sadd.s32 s19, s18  }
0x9c: {  	s6 =	simm.s32 $0x0;
	s20 =	sshll.u32 s4, $0x1;
	s4 =	sadd.s32 s21, s2  }
0x9d: {  	[timem:s6], [sflag:s22] =	dma.local [hbm:s4], s20  }
0x9e: {  	_ =	swait.ge [sflag:s22], s20  }
0x9f: {  	s3 =	ssub.s32 $0x0, s20;
	[sflag:s22] =	ssyncset.done $0x0  }
0xa0: {  	[sflag:s22] =	ssyncadd.s32 s3;
	_ =	sdelay $0x1  }
0xa1: {  	s23 =	simm.s32 $0x1B8B  }
0xa2: {  	_ =	swait.ge [sflag:s23], $0x1  }
0xa3: {  	[sflag:s23] =	ssyncset.done $0x0  }
0xa4: {  	s25 =	simm.s32 $0x1B8E;
	s24 =	sld [smem:$0x3FFE];
	[sflag:s23] =	ssyncadd.s32 $0xFFFFFFFF  }
0xa5: {  	s26 =	simm.s32 $execute0_lowered;
	[smem:$0x3FD2] =	sst s25  }
0xa6: {  	s4 =	sshll.u32 s26, $0x1;
	_ =	strace $0x80000046;
	[dreg:$0x1] =	wrdreg $0xFFFFFFFF  }
0xa7: {  	s28 =	simm.s32 $_size_execute0_lowered;
	s2 =	sadd.s32 s2, s4;
	[dreg:$0x0] =	wrdreg $0x0  }
0xa8: {  	s4 =	sshll.u32 s28, $0x1;
	[dreg:$0x2] =	wrdreg s2  }
0xa9: {  	[dreg:$0x3] =	wrdreg s4  }
0xaa: {  	[dreg:$0x4] =	wrdreg $0xC0  }
0xab: {  	_ =	task [dreg:s6], $0x5FFFF  }
0xac: {  	[dreg:$0x1] =	wrdreg $0xFFFFFFFF  }
0xad: {  	[dreg:$0x0] =	wrdreg $0x60  }
0xae: {  	[dreg:$0x2] =	wrdreg s24  }
0xaf: {  	[dreg:$0x3] =	wrdreg $0x9  }
0xb0: {  	_ =	task.clear_ibuf [dreg:s6], $0x4FFFF;
	_ =	strace $0x90000046  }
0xb1: {  	s29 =	simm.s32 $0x9;
	_ =	strace $0x80000048  }
0xb2: {  	_ =	swait.ge [sflag:s29], $0x1  }
0xb3: {  	[sflag:s29] =	ssyncadd.s32 $0xFFFFFFFF  }
0xb4: {  	_ =	strace $0x90000048  }
0xb5: {  	_ =	sfence  }
0xb6: {  	s30 =	sld [smem:$0x0];
	_ =	sdelay $0x2  }
0xb7: {  	s31 =	sshll.u32 s1, $0xD;
	s1 =	sshrl.u32 s1, $0x2  }
0xb8: {  	s3 =	sand.u32 $0x4000, s31;
	s1 =	sadd.s32 s1, s30  }
0xb9: {  	s0 =	sor.u32 s3, s0;
	s1 =	sshll.u32 s1, $0x11  }
0xba: {  	s0 =	sor.u32 s1, s0  }
0xbb: {  	s0 =	sadd.s32 $0x8F2B, s0  }
0xbc: {  	[sflag:s0] =	ssyncadd.remote.s32 $0x1  }
0xbd: {  	_ =	sfence.sel $0xFFFF  }
0xbe: {  	[dreg:$0x0] =	wrdreg $0xFFFFFFFF;
	(pc) =	sbr.abs _section_cstart, $3  }
0xbf: {  	[dreg:$0x1] =	wrdreg $0xFFFFFFFF  }
0xc0: {  	_ =	task.clear_ibuf [dreg:s6], $0x2FFFF;
	_ =	strace $0x9FFFFFFF  }
0xc1: {  	(tm) =	ssettm $0x7FFFFFFF  }
tec
execute0_lowered:
.L_overlay_start_1:
0x0: {  	(tag) =	ssettag $0x1  }
0x1: {  	s1 =	srdreg.scid;
	s0 =	stileid.u32  }
0x2: {  	s9 =	rddreg [dreg:$0x0];
	s6 =	sand.u32 $0x1, s1;
	s30 =	sshll.u32 s0, $0x1  }
0x3: {  	s2 =	simm.s32 $0x0;
	s1 =	rddreg [dreg:$0x1];
	s7 =	sor.u32 s6, s30  }
0x4: {  	s8 =	simm.s32 $0x1;
	[smem:$0x7FF] =	sst s2;
	s3 =	smul.u32 $0x4F, s7  }
0x5: {  	s5 =	sadd.s32 $0xA00, s9;
	_ =	strace $0x80000047;
	s11 =	ssub.s32 $0x2, s6  }
0x6: {  	s6 =	simm.s32 $0x278;
	s4 =	sadd.s32 s9, s3;
	s3 =	simm.s32 $0x2  }
0x7: {  	[tilespmem:s2], [sflag:$0x2] =	stream.linear.gather [hbm4b:s4+s2], $0x278, $0x38;
	[tilespmem:$0x13E80] =	vst v63  }
0x8: {  	s10 =	smul.u32 $0x2780, s7;
	s12 =	sshrl.u32 s11, $0x1;
	_ =	swait.ge [sflag:s3], $0x278  }
0x9: {  	s7 =	simm.s32 $0x280;
	s31 =	ssub.s32 s11, s12;
	[sflag:s3] =	ssyncset.done $0x0  }
0xa: {  	s9 =	sadd.s32 s10, s9;
	s10 =	smax.u32 s31, $0x1;
	[sflag:s3] =	ssyncadd.s32 $0xFFFFFD88  }
0xb: {  	[tilespmem:s7], [sflag:$0x1] =	stream.indirect.gather [hbm4b:s5+s6], $0x80, s2, s6, $0xb8;
	[tilespmem:$0x13E80] =	vst v63  }
0xc: {  	p0 =	sne.s32 s10, $0x1;
	_ =	swait.ge [sflag:s8], $0x13C00  }
.Ltmp0:
0xd: {  	[sflag:s8] =	ssyncset.done $0x0;
	(pc) =	sbr.rel @!p0 .LBB2_2-.Ltmp0, $4  }
0xe: {  	s9 =	sadd.s32 $0x4EC00, s9;
	[sflag:s8] =	ssyncadd.s32 $0xFFFEC400  }
0xf: {  	[hbm4b:s9+s2] =	stream.linear.scatter [tilespmem:s7], [sflag:$0x2], $0x13C00, $0x38;
	[tilespmem:$0x13E80] =	vst v63  }
0x10: {  	_ =	swait.ge [sflag:s3], $0x13C00  }
0x11: {  	s10 =	sadd.s32 $0xFFFFFFFF, s10;
	[sflag:s3] =	ssyncset.done $0x0  }
.LBB2_1:
0x12: {  	p0 =	sne.s32 s10, $0x1;
	s10 =	sadd.s32 $0xFFFFFFFF, s10;
	[sflag:s3] =	ssyncadd.s32 $0xFFFEC400  }
0x13: {  	[tilespmem:s2], [sflag:$0x2] =	stream.linear.gather [hbm4b:s4+s2], $0x278, $0x38;
	[tilespmem:$0x13E80] =	vst v63  }
0x14: {  	_ =	swait.ge [sflag:s3], $0x278  }
0x15: {  	[sflag:s3] =	ssyncset.done $0x0  }
0x16: {  	[sflag:s3] =	ssyncadd.s32 $0xFFFFFD88  }
0x17: {  	[tilespmem:s7], [sflag:$0x1] =	stream.indirect.gather [hbm4b:s5+s6], $0x80, s2, s6, $0xb8;
	[tilespmem:$0x13E80] =	vst v63  }
0x18: {  	_ =	swait.ge [sflag:s8], $0x13C00  }
.Ltmp1:
0x19: {  	[sflag:s8] =	ssyncset.done $0x0;
	(pc) =	sbr.rel @p0 .LBB2_1-.Ltmp1, $4  }
0x1a: {  	[sflag:s8] =	ssyncadd.s32 $0xFFFEC400  }
0x1b: {  	[hbm4b:s9+s2] =	stream.linear.scatter [tilespmem:s7], [sflag:$0x2], $0x13C00, $0x38;
	[tilespmem:$0x13E80] =	vst v63  }
0x1c: {  	_ =	swait.ge [sflag:s3], $0x13C00  }
0x1d: {  	[sflag:s3] =	ssyncset.done $0x0  }
.LBB2_2:
0x1e: {  	[sflag:s3] =	ssyncadd.s32 $0xFFFEC400  }
0x1f: {  	_ =	sfence.sel $0x180000  }
0x20: {  	[bflag:$0x0] =	sbarrier.arrive $0xFFFF  }
0x21: {  	p0 =	sne.s32 s0, $0x0;
	_ =	strace $0x90000047  }
0x22: {  	s0 =	sadd.s32 @!p0 $0x100000, s1;
	[bflag:$0x2] =	sbarrier.arrive $0xFFFF  }
0x23: {  	[sflag:s0] =	ssyncadd.tile.s32 @!p0 $0x1;
	_ =	shalt  }
.Lfunc_end2:
_tile_overlayer_lowered:
.L_overlay_start_2:
0x24: {  	(tag) =	ssettag $0x2  }
0x25: {  	s0 =	rddreg [dreg:$0x0];
	s2 =	stileid.u32  }
0x26: {  	s1 =	rddreg [dreg:$0x1];
	p0 =	sne.s32 s2, $0x0  }
0x27: {  	s3 =	rddreg [dreg:$0x2];
	[bflag:$0x3] =	sbarrier.arrive $0xFFFF;
	s2 =	simm.s32 @!p0 $0x1C02  }
0x28: {  	[timem:s3], [sflag:s2] =	dma.local @!p0 [hbm:s0], s1  }
0x29: {  	s0 =	simm.s32 @!p0 $0x2  }
0x2a: {  	_ =	swait.ge @!p0 [sflag:s0], s1  }
0x2b: {  	s1 =	ssub.s32 @!p0 $0x0, s1;
	[sflag:s0] =	ssyncset.done @!p0 $0x0  }
0x2c: {  	[sflag:s0] =	ssyncadd.s32 @!p0 s1  }
0x2d: {  	[bflag:$0x3] =	sbarrier.arrive $0xFFFF  }
0x2e: {  	_ =	shalt  }

</sc_bundles>
